<compile_context>
chip_gen: v7x
topology: tpu7x:2x2x1
jax: 0.10.2.dev20260603
libtpu: 0.0.44.dev20260713+nightly
codegen_flags: <defaults>
</compile_context>

<pallas_src>
import jax
import jax.numpy as jnp
from jax import lax
from jax.experimental import pallas as pl
from jax.experimental.pallas import tpu as pltpu
from jax.experimental.pallas import tpu_sc as plsc

NC = 2
NS = 16
L = 16
NW = NC * NS

B = 16384
V = 1000000
D = 16
P = 128
BPW = B // NW
NCHUNK = 4
CHUNK = BPW // NCHUNK


def _body(idx0_hbm, idx1_hbm, f0_hbm, f1_hbm, out_hbm,
          idx0_v, idx1_v, rows0_v, rows1_v, out_v, sem0, sem1):
  wid = lax.axis_index("s") * NC + lax.axis_index("c")
  base = wid * BPW

  pltpu.sync_copy(idx0_hbm.at[wid], idx0_v)
  pltpu.sync_copy(idx1_hbm.at[wid], idx1_v)

  iota = lax.broadcasted_iota(jnp.int32, (L,), 0)

  def fire(j):
    p = j % 2
    c0 = pltpu.async_copy(f0_hbm.at[idx0_v.at[j]], rows0_v.at[p], sem0)
    c1 = pltpu.async_copy(f1_hbm.at[idx1_v.at[j]], rows1_v.at[p], sem1)
    return c0, c1

  pending = fire(0)
  for j in range(NCHUNK):
    nxt = fire(j + 1) if j + 1 < NCHUNK else None
    for c in pending:
      c.wait()
    p = j % 2

    def group16(g, carry):
      acc = jnp.zeros((L,), jnp.float32)
      for i in range(L):
        b = g * L + i
        s = jnp.sum(rows0_v[p, b, pl.ds(0, D)] * rows1_v[p, b, pl.ds(0, D)])
        acc = jnp.where(iota == i, s, acc)
      plsc.store_scatter(out_v, [j * CHUNK + g * L + iota], acc)
      return carry

    lax.fori_loop(0, CHUNK // L, group16, 0)
    pending = nxt

  pltpu.sync_copy(out_v, out_hbm.at[pl.ds(base, BPW)])


def kernel(idx0, idx1, factor0, factor1):
  mesh = plsc.VectorSubcoreMesh(
      core_axis_name="c", subcore_axis_name="s",
      num_cores=NC, num_subcores=NS)
  run = pl.kernel(
      _body,
      out_type=jax.ShapeDtypeStruct((B,), jnp.float32),
      mesh=mesh,
      scratch_types=[
          pltpu.VMEM((NCHUNK, CHUNK), jnp.int32),
          pltpu.VMEM((NCHUNK, CHUNK), jnp.int32),
          pltpu.VMEM((2, CHUNK, P), jnp.float32),
          pltpu.VMEM((2, CHUNK, P), jnp.float32),
          pltpu.VMEM((BPW,), jnp.float32),
          pltpu.SemaphoreType.DMA,
          pltpu.SemaphoreType.DMA,
      ],
      compiler_params=pltpu.CompilerParams(
          needs_layout_passes=False, use_tc_tiling_on_sc=False),
  )
  fp0 = jnp.pad(factor0, ((0, 0), (0, P - D)))
  fp1 = jnp.pad(factor1, ((0, 0), (0, P - D)))
  return run(idx0.reshape(NW, NCHUNK, CHUNK),
             idx1.reshape(NW, NCHUNK, CHUNK),
             fp0, fp1)

# --- scband reference (transcript-rebuilt; emitter-appended) ---
"""Pipeline reference for scband-tfembedder-29360396436112 (READ-ONLY COPY).

The authoritative reference and input builder live on the scoring server;
editing this copy changes nothing except your own understanding.
"""

import jax, jax.numpy as jnp
import numpy as np

B = 16384
V = 1000000
D = 16

def setup_inputs(seed: int = 0) -> dict:
    key = jax.random.key(seed)
    k0, k1, k2, k3 = jax.random.split(key, 4)
    idx0 = jax.random.randint(k0, (B,), 0, V, dtype=jnp.int32)
    idx1 = jax.random.randint(k1, (B,), 0, V, dtype=jnp.int32)
    # learned parameters: two embedding tables (factors), sized per init_kwargs
    factor0 = jax.random.normal(k2, (V, D), dtype=jnp.float32) * 0.01
    factor1 = jax.random.normal(k3, (V, D), dtype=jnp.float32) * 0.01
    return {"idx0": idx0, "idx1": idx1, "factor0": factor0, "factor1": factor1}

def reference(idx0, idx1, factor0, factor1):
    # Mhat_batch = gather(factor0, idx0) * gather(factor1, idx1)
    m = jnp.take(factor0, idx0, axis=0) * jnp.take(factor1, idx1, axis=0)
    # reduce_sum over axis=1 (the embedding dimension) -> shape [B]
    return jnp.sum(m, axis=1)

if __name__ == "__main__":
    import jax
    _d = setup_inputs()
    print(jax.jit(kernel)(*tuple(_d.values())))

</pallas_src>

<mosaic_0001>
#map = affine_map<(d0, d1) -> (0, 0, 0)>
#map1 = affine_map<(d0, d1) -> (0, 0)>
#map2 = affine_map<(d0, d1) -> (0)>
module attributes {stable_mosaic.version = 14 : i64} {
  func.func @_body(%arg0: i32, %arg1: i32, %arg2: memref<32x4x128xi32, #tpu.memory_space<hbm>>, %arg3: memref<32x4x128xi32, #tpu.memory_space<hbm>>, %arg4: memref<1000000x128xf32, #tpu.memory_space<hbm>>, %arg5: memref<1000000x128xf32, #tpu.memory_space<hbm>>, %arg6: memref<16384xf32, #tpu.memory_space<hbm>>, %arg7: memref<4x128xi32, #tpu.memory_space<vmem>>, %arg8: memref<4x128xi32, #tpu.memory_space<vmem>>, %arg9: memref<2x128x128xf32, #tpu.memory_space<vmem>>, %arg10: memref<2x128x128xf32, #tpu.memory_space<vmem>>, %arg11: memref<512xf32, #tpu.memory_space<vmem>>, %arg12: memref<!tpu.dma_semaphore, #tpu.memory_space<semaphore_mem>>, %arg13: memref<!tpu.dma_semaphore, #tpu.memory_space<semaphore_mem>>) attributes {dimension_semantics = [#tpu.dimension_semantics<core_parallel>, #tpu.dimension_semantics<subcore_parallel>], iteration_bounds = array<i64: 2, 16>, scalar_prefetch = 0 : i64, scratch_operands = 7 : i64, tpu.core_type = #tpu.core_type<sc_vector_subcore>, window_params = [{transform_indices = #map}, {transform_indices = #map}, {transform_indices = #map1}, {transform_indices = #map1}, {transform_indices = #map2}]} {
    %mul3A = arith.constant 2 : i32
    %mul3A_0 = arith.muli %arg1, %mul3A : i32
    %add3A = arith.addi %mul3A_0, %arg0 : i32
    %mul3A_1 = arith.constant 512 : i32
    %mul3A_2 = arith.muli %add3A, %mul3A_1 : i32
    "tpu.region"() ({
      %run_scoped3A = tpu.sem_alloc : memref<!tpu.dma_semaphore, #tpu.memory_space<semaphore_mem>>
      %dma_start3A_216 = arith.constant 0 : i32
      %dma_start3A_217 = arith.constant 0 : i32
      %dma_start3A_218 = tpu.memref_slice %arg2[%add3A, %dma_start3A_216, %dma_start3A_217] : memref<32x4x128xi32, #tpu.memory_space<hbm>> -> memref<1x4x128xi32, #tpu.memory_space<hbm>>
      %dma_start3A_219 = tpu.memref_squeeze %dma_start3A_218 : memref<1x4x128xi32, #tpu.memory_space<hbm>> -> memref<4x128xi32, #tpu.memory_space<hbm>>
      %dma_start3A_220 = arith.constant 0 : i32
      %dma_start3A_221 = arith.constant 0 : i32
      %dma_start3A_222 = tpu.memref_slice %arg2[%add3A, %dma_start3A_220, %dma_start3A_221] : memref<32x4x128xi32, #tpu.memory_space<hbm>> -> memref<1x4x128xi32, #tpu.memory_space<hbm>>
      %dma_start3A_223 = tpu.memref_squeeze %dma_start3A_222 : memref<1x4x128xi32, #tpu.memory_space<hbm>> -> memref<4x128xi32, #tpu.memory_space<hbm>>
      tpu.enqueue_dma source(%dma_start3A_223 : memref<4x128xi32, #tpu.memory_space<hbm>>) target(%arg7 : memref<4x128xi32, #tpu.memory_space<vmem>>) target_semaphore(%run_scoped3A : memref<!tpu.dma_semaphore, #tpu.memory_space<semaphore_mem>>)
      %dma_wait3A_224 = arith.constant 0 : i32
      %dma_wait3A_225 = arith.constant 0 : i32
      %dma_wait3A_226 = tpu.memref_slice %arg2[%add3A, %dma_wait3A_224, %dma_wait3A_225] : memref<32x4x128xi32, #tpu.memory_space<hbm>> -> memref<1x4x128xi32, #tpu.memory_space<hbm>>
      %dma_wait3A_227 = tpu.memref_squeeze %dma_wait3A_226 : memref<1x4x128xi32, #tpu.memory_space<hbm>> -> memref<4x128xi32, #tpu.memory_space<hbm>>
      %dma_wait3A_228 = arith.constant 0 : i32
      %dma_wait3A_229 = arith.constant 0 : i32
      %dma_wait3A_230 = tpu.memref_slice %arg2[%add3A, %dma_wait3A_228, %dma_wait3A_229] : memref<32x4x128xi32, #tpu.memory_space<hbm>> -> memref<1x4x128xi32, #tpu.memory_space<hbm>>
      %dma_wait3A_231 = tpu.memref_squeeze %dma_wait3A_230 : memref<1x4x128xi32, #tpu.memory_space<hbm>> -> memref<4x128xi32, #tpu.memory_space<hbm>>
      tpu.wait_dma2 semaphore(%run_scoped3A : memref<!tpu.dma_semaphore, #tpu.memory_space<semaphore_mem>>) src(%dma_wait3A_231 : memref<4x128xi32, #tpu.memory_space<hbm>>) dst(%arg7 : memref<4x128xi32, #tpu.memory_space<vmem>>)
      tpu.yield
    }) : () -> ()
    "tpu.region"() ({
      %run_scoped3A = tpu.sem_alloc : memref<!tpu.dma_semaphore, #tpu.memory_space<semaphore_mem>>
      %dma_start3A_216 = arith.constant 0 : i32
      %dma_start3A_217 = arith.constant 0 : i32
      %dma_start3A_218 = tpu.memref_slice %arg3[%add3A, %dma_start3A_216, %dma_start3A_217] : memref<32x4x128xi32, #tpu.memory_space<hbm>> -> memref<1x4x128xi32, #tpu.memory_space<hbm>>
      %dma_start3A_219 = tpu.memref_squeeze %dma_start3A_218 : memref<1x4x128xi32, #tpu.memory_space<hbm>> -> memref<4x128xi32, #tpu.memory_space<hbm>>
      %dma_start3A_220 = arith.constant 0 : i32
      %dma_start3A_221 = arith.constant 0 : i32
      %dma_start3A_222 = tpu.memref_slice %arg3[%add3A, %dma_start3A_220, %dma_start3A_221] : memref<32x4x128xi32, #tpu.memory_space<hbm>> -> memref<1x4x128xi32, #tpu.memory_space<hbm>>
      %dma_start3A_223 = tpu.memref_squeeze %dma_start3A_222 : memref<1x4x128xi32, #tpu.memory_space<hbm>> -> memref<4x128xi32, #tpu.memory_space<hbm>>
      tpu.enqueue_dma source(%dma_start3A_223 : memref<4x128xi32, #tpu.memory_space<hbm>>) target(%arg8 : memref<4x128xi32, #tpu.memory_space<vmem>>) target_semaphore(%run_scoped3A : memref<!tpu.dma_semaphore, #tpu.memory_space<semaphore_mem>>)
      %dma_wait3A_224 = arith.constant 0 : i32
      %dma_wait3A_225 = arith.constant 0 : i32
      %dma_wait3A_226 = tpu.memref_slice %arg3[%add3A, %dma_wait3A_224, %dma_wait3A_225] : memref<32x4x128xi32, #tpu.memory_space<hbm>> -> memref<1x4x128xi32, #tpu.memory_space<hbm>>
      %dma_wait3A_227 = tpu.memref_squeeze %dma_wait3A_226 : memref<1x4x128xi32, #tpu.memory_space<hbm>> -> memref<4x128xi32, #tpu.memory_space<hbm>>
      %dma_wait3A_228 = arith.constant 0 : i32
      %dma_wait3A_229 = arith.constant 0 : i32
      %dma_wait3A_230 = tpu.memref_slice %arg3[%add3A, %dma_wait3A_228, %dma_wait3A_229] : memref<32x4x128xi32, #tpu.memory_space<hbm>> -> memref<1x4x128xi32, #tpu.memory_space<hbm>>
      %dma_wait3A_231 = tpu.memref_squeeze %dma_wait3A_230 : memref<1x4x128xi32, #tpu.memory_space<hbm>> -> memref<4x128xi32, #tpu.memory_space<hbm>>
      tpu.wait_dma2 semaphore(%run_scoped3A : memref<!tpu.dma_semaphore, #tpu.memory_space<semaphore_mem>>) src(%dma_wait3A_231 : memref<4x128xi32, #tpu.memory_space<hbm>>) dst(%arg8 : memref<4x128xi32, #tpu.memory_space<vmem>>)
      tpu.yield
    }) : () -> ()
    %iota3A = tpu.iota {dimensions = array<i32: 0>} : vector<16xi32>
    %dma_start3A = arith.constant 0 : i32
    %dma_start3A_3 = arith.constant 0 : i32
    %dma_start3A_4 = arith.constant 0 : i32
    %dma_start3A_5 = arith.constant 0 : i32
    %dma_start3A_6 = tpu.memref_slice %arg9[%dma_start3A_3, %dma_start3A_4, %dma_start3A_5] : memref<2x128x128xf32, #tpu.memory_space<vmem>> -> memref<1x128x128xf32, #tpu.memory_space<vmem>>
    %dma_start3A_7 = tpu.memref_squeeze %dma_start3A_6 : memref<1x128x128xf32, #tpu.memory_space<vmem>> -> memref<128x128xf32, #tpu.memory_space<vmem>>
    %dma_start3A_8 = arith.constant 0 : i32
    %dma_start3A_9 = tpu.memref_slice %arg7[%dma_start3A, %dma_start3A_8] : memref<4x128xi32, #tpu.memory_space<vmem>> -> memref<1x128xi32, #tpu.memory_space<vmem>>
    %dma_start3A_10 = tpu.memref_squeeze %dma_start3A_9 : memref<1x128xi32, #tpu.memory_space<vmem>> -> memref<128xi32, #tpu.memory_space<vmem>>
    %dma_start3A_11 = arith.constant 0 : i32
    %dma_start3A_12 = arith.constant 0 : i32
    %dma_start3A_13 = tpu.memref_slice %arg4[%dma_start3A_11, %dma_start3A_12] : memref<1000000x128xf32, #tpu.memory_space<hbm>> -> memref<1000000x128xf32, #tpu.memory_space<hbm>>
    tpu.enqueue_indirect_dma source(%dma_start3A_13 : memref<1000000x128xf32, #tpu.memory_space<hbm>>) target(%dma_start3A_7 : memref<128x128xf32, #tpu.memory_space<vmem>>) offsets(%dma_start3A_10 : memref<128xi32, #tpu.memory_space<vmem>>) semaphore(%arg12 : memref<!tpu.dma_semaphore, #tpu.memory_space<semaphore_mem>>)
    %dma_start3A_14 = arith.constant 0 : i32
    %dma_start3A_15 = arith.constant 0 : i32
    %dma_start3A_16 = arith.constant 0 : i32
    %dma_start3A_17 = arith.constant 0 : i32
    %dma_start3A_18 = tpu.memref_slice %arg10[%dma_start3A_15, %dma_start3A_16, %dma_start3A_17] : memref<2x128x128xf32, #tpu.memory_space<vmem>> -> memref<1x128x128xf32, #tpu.memory_space<vmem>>
    %dma_start3A_19 = tpu.memref_squeeze %dma_start3A_18 : memref<1x128x128xf32, #tpu.memory_space<vmem>> -> memref<128x128xf32, #tpu.memory_space<vmem>>
    %dma_start3A_20 = arith.constant 0 : i32
    %dma_start3A_21 = tpu.memref_slice %arg8[%dma_start3A_14, %dma_start3A_20] : memref<4x128xi32, #tpu.memory_space<vmem>> -> memref<1x128xi32, #tpu.memory_space<vmem>>
    %dma_start3A_22 = tpu.memref_squeeze %dma_start3A_21 : memref<1x128xi32, #tpu.memory_space<vmem>> -> memref<128xi32, #tpu.memory_space<vmem>>
    %dma_start3A_23 = arith.constant 0 : i32
    %dma_start3A_24 = arith.constant 0 : i32
    %dma_start3A_25 = tpu.memref_slice %arg5[%dma_start3A_23, %dma_start3A_24] : memref<1000000x128xf32, #tpu.memory_space<hbm>> -> memref<1000000x128xf32, #tpu.memory_space<hbm>>
    tpu.enqueue_indirect_dma source(%dma_start3A_25 : memref<1000000x128xf32, #tpu.memory_space<hbm>>) target(%dma_start3A_19 : memref<128x128xf32, #tpu.memory_space<vmem>>) offsets(%dma_start3A_22 : memref<128xi32, #tpu.memory_space<vmem>>) semaphore(%arg13 : memref<!tpu.dma_semaphore, #tpu.memory_space<semaphore_mem>>)
    %dma_start3A_26 = arith.constant 1 : i32
    %dma_start3A_27 = arith.constant 1 : i32
    %dma_start3A_28 = arith.constant 0 : i32
    %dma_start3A_29 = arith.constant 0 : i32
    %dma_start3A_30 = tpu.memref_slice %arg9[%dma_start3A_27, %dma_start3A_28, %dma_start3A_29] : memref<2x128x128xf32, #tpu.memory_space<vmem>> -> memref<1x128x128xf32, #tpu.memory_space<vmem>>
    %dma_start3A_31 = tpu.memref_squeeze %dma_start3A_30 : memref<1x128x128xf32, #tpu.memory_space<vmem>> -> memref<128x128xf32, #tpu.memory_space<vmem>>
    %dma_start3A_32 = arith.constant 0 : i32
    %dma_start3A_33 = tpu.memref_slice %arg7[%dma_start3A_26, %dma_start3A_32] : memref<4x128xi32, #tpu.memory_space<vmem>> -> memref<1x128xi32, #tpu.memory_space<vmem>>
    %dma_start3A_34 = tpu.memref_squeeze %dma_start3A_33 : memref<1x128xi32, #tpu.memory_space<vmem>> -> memref<128xi32, #tpu.memory_space<vmem>>
    %dma_start3A_35 = arith.constant 0 : i32
    %dma_start3A_36 = arith.constant 0 : i32
    %dma_start3A_37 = tpu.memref_slice %arg4[%dma_start3A_35, %dma_start3A_36] : memref<1000000x128xf32, #tpu.memory_space<hbm>> -> memref<1000000x128xf32, #tpu.memory_space<hbm>>
    tpu.enqueue_indirect_dma source(%dma_start3A_37 : memref<1000000x128xf32, #tpu.memory_space<hbm>>) target(%dma_start3A_31 : memref<128x128xf32, #tpu.memory_space<vmem>>) offsets(%dma_start3A_34 : memref<128xi32, #tpu.memory_space<vmem>>) semaphore(%arg12 : memref<!tpu.dma_semaphore, #tpu.memory_space<semaphore_mem>>)
    %dma_start3A_38 = arith.constant 1 : i32
    %dma_start3A_39 = arith.constant 1 : i32
    %dma_start3A_40 = arith.constant 0 : i32
    %dma_start3A_41 = arith.constant 0 : i32
    %dma_start3A_42 = tpu.memref_slice %arg10[%dma_start3A_39, %dma_start3A_40, %dma_start3A_41] : memref<2x128x128xf32, #tpu.memory_space<vmem>> -> memref<1x128x128xf32, #tpu.memory_space<vmem>>
    %dma_start3A_43 = tpu.memref_squeeze %dma_start3A_42 : memref<1x128x128xf32, #tpu.memory_space<vmem>> -> memref<128x128xf32, #tpu.memory_space<vmem>>
    %dma_start3A_44 = arith.constant 0 : i32
    %dma_start3A_45 = tpu.memref_slice %arg8[%dma_start3A_38, %dma_start3A_44] : memref<4x128xi32, #tpu.memory_space<vmem>> -> memref<1x128xi32, #tpu.memory_space<vmem>>
    %dma_start3A_46 = tpu.memref_squeeze %dma_start3A_45 : memref<1x128xi32, #tpu.memory_space<vmem>> -> memref<128xi32, #tpu.memory_space<vmem>>
    %dma_start3A_47 = arith.constant 0 : i32
    %dma_start3A_48 = arith.constant 0 : i32
    %dma_start3A_49 = tpu.memref_slice %arg5[%dma_start3A_47, %dma_start3A_48] : memref<1000000x128xf32, #tpu.memory_space<hbm>> -> memref<1000000x128xf32, #tpu.memory_space<hbm>>
    tpu.enqueue_indirect_dma source(%dma_start3A_49 : memref<1000000x128xf32, #tpu.memory_space<hbm>>) target(%dma_start3A_43 : memref<128x128xf32, #tpu.memory_space<vmem>>) offsets(%dma_start3A_46 : memref<128xi32, #tpu.memory_space<vmem>>) semaphore(%arg13 : memref<!tpu.dma_semaphore, #tpu.memory_space<semaphore_mem>>)
    %dma_wait3A = arith.constant 0 : i32
    %dma_wait3A_50 = arith.constant 0 : i32
    %dma_wait3A_51 = arith.constant 0 : i32
    %dma_wait3A_52 = arith.constant 0 : i32
    %dma_wait3A_53 = tpu.memref_slice %arg9[%dma_wait3A_50, %dma_wait3A_51, %dma_wait3A_52] : memref<2x128x128xf32, #tpu.memory_space<vmem>> -> memref<1x128x128xf32, #tpu.memory_space<vmem>>
    %dma_wait3A_54 = tpu.memref_squeeze %dma_wait3A_53 : memref<1x128x128xf32, #tpu.memory_space<vmem>> -> memref<128x128xf32, #tpu.memory_space<vmem>>
    %dma_wait3A_55 = arith.constant 0 : i32
    %dma_wait3A_56 = tpu.memref_slice %arg7[%dma_wait3A, %dma_wait3A_55] : memref<4x128xi32, #tpu.memory_space<vmem>> -> memref<1x128xi32, #tpu.memory_space<vmem>>
    %dma_wait3A_57 = tpu.memref_squeeze %dma_wait3A_56 : memref<1x128xi32, #tpu.memory_space<vmem>> -> memref<128xi32, #tpu.memory_space<vmem>>
    %dma_wait3A_58 = arith.constant 0 : i32
    %dma_wait3A_59 = arith.constant 0 : i32
    %dma_wait3A_60 = tpu.memref_slice %arg4[%dma_wait3A_58, %dma_wait3A_59] : memref<1000000x128xf32, #tpu.memory_space<hbm>> -> memref<1000000x128xf32, #tpu.memory_space<hbm>>
    tpu.wait_indirect_dma semaphore(%arg12 : memref<!tpu.dma_semaphore, #tpu.memory_space<semaphore_mem>>) src(%dma_wait3A_60 : memref<1000000x128xf32, #tpu.memory_space<hbm>>) dst(%dma_wait3A_54 : memref<128x128xf32, #tpu.memory_space<vmem>>)
    %dma_wait3A_61 = arith.constant 0 : i32
    %dma_wait3A_62 = arith.constant 0 : i32
    %dma_wait3A_63 = arith.constant 0 : i32
    %dma_wait3A_64 = arith.constant 0 : i32
    %dma_wait3A_65 = tpu.memref_slice %arg10[%dma_wait3A_62, %dma_wait3A_63, %dma_wait3A_64] : memref<2x128x128xf32, #tpu.memory_space<vmem>> -> memref<1x128x128xf32, #tpu.memory_space<vmem>>
    %dma_wait3A_66 = tpu.memref_squeeze %dma_wait3A_65 : memref<1x128x128xf32, #tpu.memory_space<vmem>> -> memref<128x128xf32, #tpu.memory_space<vmem>>
    %dma_wait3A_67 = arith.constant 0 : i32
    %dma_wait3A_68 = tpu.memref_slice %arg8[%dma_wait3A_61, %dma_wait3A_67] : memref<4x128xi32, #tpu.memory_space<vmem>> -> memref<1x128xi32, #tpu.memory_space<vmem>>
    %dma_wait3A_69 = tpu.memref_squeeze %dma_wait3A_68 : memref<1x128xi32, #tpu.memory_space<vmem>> -> memref<128xi32, #tpu.memory_space<vmem>>
    %dma_wait3A_70 = arith.constant 0 : i32
    %dma_wait3A_71 = arith.constant 0 : i32
    %dma_wait3A_72 = tpu.memref_slice %arg5[%dma_wait3A_70, %dma_wait3A_71] : memref<1000000x128xf32, #tpu.memory_space<hbm>> -> memref<1000000x128xf32, #tpu.memory_space<hbm>>
    tpu.wait_indirect_dma semaphore(%arg13 : memref<!tpu.dma_semaphore, #tpu.memory_space<semaphore_mem>>) src(%dma_wait3A_72 : memref<1000000x128xf32, #tpu.memory_space<hbm>>) dst(%dma_wait3A_66 : memref<128x128xf32, #tpu.memory_space<vmem>>)
    %scan3A = arith.constant 0 : i32
    %scan3A_73 = arith.constant 0 : i32
    %scan3A_74 = arith.constant 8 : i32
    %scan3A_75 = arith.addi %scan3A_73, %scan3A_74 : i32
    %scan3A_76 = arith.constant 1 : i32
    scf.for %scan3A_216 = %scan3A_73 to %scan3A_75 step %scan3A_76  : i32 {
      %broadcast_in_dim3A = arith.constant 0.000000e+00 : f32
      %broadcast_in_dim3A_217 = vector.broadcast %broadcast_in_dim3A : f32 to vector<16xf32>
      %mul3A_218 = arith.constant 16 : i32
      %mul3A_219 = arith.muli %scan3A_216, %mul3A_218 : i32
      %add3A_220 = arith.constant 0 : i32
      %add3A_221 = arith.addi %mul3A_219, %add3A_220 : i32
      %get3A = arith.constant 0 : i32
      %get3A_222 = arith.index_cast %get3A : i32 to index
      %get3A_223 = arith.index_cast %add3A_221 : i32 to index
      %get3A_224 = arith.constant 0 : index
      %get3A_225 = tpu.vector_load %arg9[%get3A_222, %get3A_223, %get3A_224] {strides = array<i32>} : memref<2x128x128xf32, #tpu.memory_space<vmem>>, vector<16xf32>,
      %get3A_226 = arith.constant 0 : i32
      %get3A_227 = arith.index_cast %get3A_226 : i32 to index
      %get3A_228 = arith.index_cast %add3A_221 : i32 to index
      %get3A_229 = arith.constant 0 : index
      %get3A_230 = tpu.vector_load %arg10[%get3A_227, %get3A_228, %get3A_229] {strides = array<i32>} : memref<2x128x128xf32, #tpu.memory_space<vmem>>, vector<16xf32>,
      %mul3A_231 = arith.mulf %get3A_225, %get3A_230 : vector<16xf32>
      %reduce_sum3A = arith.constant true
      %reduce_sum3A_232 = vector.broadcast %reduce_sum3A : i1 to vector<16xi1>
      %reduce_sum3A_233 = tpu.scan <sum>, %mul3A_231 masked %reduce_sum3A_232 : vector<16xf32>, vector<16xi1> -> vector<16xf32>
      %reduce_sum3A_234 = vector.extract %reduce_sum3A_233[15] : f32 from vector<16xf32>
      %eq3A = arith.constant 0 : i32
      %eq3A_235 = vector.broadcast %eq3A : i32 to vector<16xi32>
      %eq3A_236 = arith.cmpi eq, %iota3A, %eq3A_235 : vector<16xi32>
      %broadcast_in_dim3A_237 = vector.broadcast %reduce_sum3A_234 : f32 to vector<16xf32>
      %select_n3A = arith.select %eq3A_236, %broadcast_in_dim3A_237, %broadcast_in_dim3A_217 : vector<16xi1>, vector<16xf32>
      %mul3A_238 = arith.constant 16 : i32
      %mul3A_239 = arith.muli %scan3A_216, %mul3A_238 : i32
      %add3A_240 = arith.constant 1 : i32
      %add3A_241 = arith.addi %mul3A_239, %add3A_240 : i32
      %get3A_242 = arith.constant 0 : i32
      %get3A_243 = arith.index_cast %get3A_242 : i32 to index
      %get3A_244 = arith.index_cast %add3A_241 : i32 to index
      %get3A_245 = arith.constant 0 : index
      %get3A_246 = tpu.vector_load %arg9[%get3A_243, %get3A_244, %get3A_245] {strides = array<i32>} : memref<2x128x128xf32, #tpu.memory_space<vmem>>, vector<16xf32>,
      %get3A_247 = arith.constant 0 : i32
      %get3A_248 = arith.index_cast %get3A_247 : i32 to index
      %get3A_249 = arith.index_cast %add3A_241 : i32 to index
      %get3A_250 = arith.constant 0 : index
      %get3A_251 = tpu.vector_load %arg10[%get3A_248, %get3A_249, %get3A_250] {strides = array<i32>} : memref<2x128x128xf32, #tpu.memory_space<vmem>>, vector<16xf32>,
      %mul3A_252 = arith.mulf %get3A_246, %get3A_251 : vector<16xf32>
      %reduce_sum3A_253 = arith.constant true
      %reduce_sum3A_254 = vector.broadcast %reduce_sum3A_253 : i1 to vector<16xi1>
      %reduce_sum3A_255 = tpu.scan <sum>, %mul3A_252 masked %reduce_sum3A_254 : vector<16xf32>, vector<16xi1> -> vector<16xf32>
      %reduce_sum3A_256 = vector.extract %reduce_sum3A_255[15] : f32 from vector<16xf32>
      %eq3A_257 = arith.constant 1 : i32
      %eq3A_258 = vector.broadcast %eq3A_257 : i32 to vector<16xi32>
      %eq3A_259 = arith.cmpi eq, %iota3A, %eq3A_258 : vector<16xi32>
      %broadcast_in_dim3A_260 = vector.broadcast %reduce_sum3A_256 : f32 to vector<16xf32>
      %select_n3A_261 = arith.select %eq3A_259, %broadcast_in_dim3A_260, %select_n3A : vector<16xi1>, vector<16xf32>
      %mul3A_262 = arith.constant 16 : i32
      %mul3A_263 = arith.muli %scan3A_216, %mul3A_262 : i32
      %add3A_264 = arith.constant 2 : i32
      %add3A_265 = arith.addi %mul3A_263, %add3A_264 : i32
      %get3A_266 = arith.constant 0 : i32
      %get3A_267 = arith.index_cast %get3A_266 : i32 to index
      %get3A_268 = arith.index_cast %add3A_265 : i32 to index
      %get3A_269 = arith.constant 0 : index
      %get3A_270 = tpu.vector_load %arg9[%get3A_267, %get3A_268, %get3A_269] {strides = array<i32>} : memref<2x128x128xf32, #tpu.memory_space<vmem>>, vector<16xf32>,
      %get3A_271 = arith.constant 0 : i32
      %get3A_272 = arith.index_cast %get3A_271 : i32 to index
      %get3A_273 = arith.index_cast %add3A_265 : i32 to index
      %get3A_274 = arith.constant 0 : index
      %get3A_275 = tpu.vector_load %arg10[%get3A_272, %get3A_273, %get3A_274] {strides = array<i32>} : memref<2x128x128xf32, #tpu.memory_space<vmem>>, vector<16xf32>,
      %mul3A_276 = arith.mulf %get3A_270, %get3A_275 : vector<16xf32>
      %reduce_sum3A_277 = arith.constant true
      %reduce_sum3A_278 = vector.broadcast %reduce_sum3A_277 : i1 to vector<16xi1>
      %reduce_sum3A_279 = tpu.scan <sum>, %mul3A_276 masked %reduce_sum3A_278 : vector<16xf32>, vector<16xi1> -> vector<16xf32>
      %reduce_sum3A_280 = vector.extract %reduce_sum3A_279[15] : f32 from vector<16xf32>
      %eq3A_281 = arith.constant 2 : i32
      %eq3A_282 = vector.broadcast %eq3A_281 : i32 to vector<16xi32>
      %eq3A_283 = arith.cmpi eq, %iota3A, %eq3A_282 : vector<16xi32>
      %broadcast_in_dim3A_284 = vector.broadcast %reduce_sum3A_280 : f32 to vector<16xf32>
      %select_n3A_285 = arith.select %eq3A_283, %broadcast_in_dim3A_284, %select_n3A_261 : vector<16xi1>, vector<16xf32>
      %mul3A_286 = arith.constant 16 : i32
      %mul3A_287 = arith.muli %scan3A_216, %mul3A_286 : i32
      %add3A_288 = arith.constant 3 : i32
      %add3A_289 = arith.addi %mul3A_287, %add3A_288 : i32
      %get3A_290 = arith.constant 0 : i32
      %get3A_291 = arith.index_cast %get3A_290 : i32 to index
      %get3A_292 = arith.index_cast %add3A_289 : i32 to index
      %get3A_293 = arith.constant 0 : index
      %get3A_294 = tpu.vector_load %arg9[%get3A_291, %get3A_292, %get3A_293] {strides = array<i32>} : memref<2x128x128xf32, #tpu.memory_space<vmem>>, vector<16xf32>,
      %get3A_295 = arith.constant 0 : i32
      %get3A_296 = arith.index_cast %get3A_295 : i32 to index
      %get3A_297 = arith.index_cast %add3A_289 : i32 to index
      %get3A_298 = arith.constant 0 : index
      %get3A_299 = tpu.vector_load %arg10[%get3A_296, %get3A_297, %get3A_298] {strides = array<i32>} : memref<2x128x128xf32, #tpu.memory_space<vmem>>, vector<16xf32>,
      %mul3A_300 = arith.mulf %get3A_294, %get3A_299 : vector<16xf32>
      %reduce_sum3A_301 = arith.constant true
      %reduce_sum3A_302 = vector.broadcast %reduce_sum3A_301 : i1 to vector<16xi1>
      %reduce_sum3A_303 = tpu.scan <sum>, %mul3A_300 masked %reduce_sum3A_302 : vector<16xf32>, vector<16xi1> -> vector<16xf32>
      %reduce_sum3A_304 = vector.extract %reduce_sum3A_303[15] : f32 from vector<16xf32>
      %eq3A_305 = arith.constant 3 : i32
      %eq3A_306 = vector.broadcast %eq3A_305 : i32 to vector<16xi32>
      %eq3A_307 = arith.cmpi eq, %iota3A, %eq3A_306 : vector<16xi32>
      %broadcast_in_dim3A_308 = vector.broadcast %reduce_sum3A_304 : f32 to vector<16xf32>
      %select_n3A_309 = arith.select %eq3A_307, %broadcast_in_dim3A_308, %select_n3A_285 : vector<16xi1>, vector<16xf32>
      %mul3A_310 = arith.constant 16 : i32
      %mul3A_311 = arith.muli %scan3A_216, %mul3A_310 : i32
      %add3A_312 = arith.constant 4 : i32
      %add3A_313 = arith.addi %mul3A_311, %add3A_312 : i32
      %get3A_314 = arith.constant 0 : i32
      %get3A_315 = arith.index_cast %get3A_314 : i32 to index
      %get3A_316 = arith.index_cast %add3A_313 : i32 to index
      %get3A_317 = arith.constant 0 : index
      %get3A_318 = tpu.vector_load %arg9[%get3A_315, %get3A_316, %get3A_317] {strides = array<i32>} : memref<2x128x128xf32, #tpu.memory_space<vmem>>, vector<16xf32>,
      %get3A_319 = arith.constant 0 : i32
      %get3A_320 = arith.index_cast %get3A_319 : i32 to index
      %get3A_321 = arith.index_cast %add3A_313 : i32 to index
      %get3A_322 = arith.constant 0 : index
      %get3A_323 = tpu.vector_load %arg10[%get3A_320, %get3A_321, %get3A_322] {strides = array<i32>} : memref<2x128x128xf32, #tpu.memory_space<vmem>>, vector<16xf32>,
      %mul3A_324 = arith.mulf %get3A_318, %get3A_323 : vector<16xf32>
      %reduce_sum3A_325 = arith.constant true
      %reduce_sum3A_326 = vector.broadcast %reduce_sum3A_325 : i1 to vector<16xi1>
      %reduce_sum3A_327 = tpu.scan <sum>, %mul3A_324 masked %reduce_sum3A_326 : vector<16xf32>, vector<16xi1> -> vector<16xf32>
      %reduce_sum3A_328 = vector.extract %reduce_sum3A_327[15] : f32 from vector<16xf32>
      %eq3A_329 = arith.constant 4 : i32
      %eq3A_330 = vector.broadcast %eq3A_329 : i32 to vector<16xi32>
      %eq3A_331 = arith.cmpi eq, %iota3A, %eq3A_330 : vector<16xi32>
      %broadcast_in_dim3A_332 = vector.broadcast %reduce_sum3A_328 : f32 to vector<16xf32>
      %select_n3A_333 = arith.select %eq3A_331, %broadcast_in_dim3A_332, %select_n3A_309 : vector<16xi1>, vector<16xf32>
      %mul3A_334 = arith.constant 16 : i32
      %mul3A_335 = arith.muli %scan3A_216, %mul3A_334 : i32
      %add3A_336 = arith.constant 5 : i32
      %add3A_337 = arith.addi %mul3A_335, %add3A_336 : i32
      %get3A_338 = arith.constant 0 : i32
      %get3A_339 = arith.index_cast %get3A_338 : i32 to index
      %get3A_340 = arith.index_cast %add3A_337 : i32 to index
      %get3A_341 = arith.constant 0 : index
      %get3A_342 = tpu.vector_load %arg9[%get3A_339, %get3A_340, %get3A_341] {strides = array<i32>} : memref<2x128x128xf32, #tpu.memory_space<vmem>>, vector<16xf32>,
      %get3A_343 = arith.constant 0 : i32
      %get3A_344 = arith.index_cast %get3A_343 : i32 to index
      %get3A_345 = arith.index_cast %add3A_337 : i32 to index
      %get3A_346 = arith.constant 0 : index
      %get3A_347 = tpu.vector_load %arg10[%get3A_344, %get3A_345, %get3A_346] {strides = array<i32>} : memref<2x128x128xf32, #tpu.memory_space<vmem>>, vector<16xf32>,
      %mul3A_348 = arith.mulf %get3A_342, %get3A_347 : vector<16xf32>
      %reduce_sum3A_349 = arith.constant true
      %reduce_sum3A_350 = vector.broadcast %reduce_sum3A_349 : i1 to vector<16xi1>
      %reduce_sum3A_351 = tpu.scan <sum>, %mul3A_348 masked %reduce_sum3A_350 : vector<16xf32>, vector<16xi1> -> vector<16xf32>
      %reduce_sum3A_352 = vector.extract %reduce_sum3A_351[15] : f32 from vector<16xf32>
      %eq3A_353 = arith.constant 5 : i32
      %eq3A_354 = vector.broadcast %eq3A_353 : i32 to vector<16xi32>
      %eq3A_355 = arith.cmpi eq, %iota3A, %eq3A_354 : vector<16xi32>
      %broadcast_in_dim3A_356 = vector.broadcast %reduce_sum3A_352 : f32 to vector<16xf32>
      %select_n3A_357 = arith.select %eq3A_355, %broadcast_in_dim3A_356, %select_n3A_333 : vector<16xi1>, vector<16xf32>
      %mul3A_358 = arith.constant 16 : i32
      %mul3A_359 = arith.muli %scan3A_216, %mul3A_358 : i32
      %add3A_360 = arith.constant 6 : i32
      %add3A_361 = arith.addi %mul3A_359, %add3A_360 : i32
      %get3A_362 = arith.constant 0 : i32
      %get3A_363 = arith.index_cast %get3A_362 : i32 to index
      %get3A_364 = arith.index_cast %add3A_361 : i32 to index
      %get3A_365 = arith.constant 0 : index
      %get3A_366 = tpu.vector_load %arg9[%get3A_363, %get3A_364, %get3A_365] {strides = array<i32>} : memref<2x128x128xf32, #tpu.memory_space<vmem>>, vector<16xf32>,
      %get3A_367 = arith.constant 0 : i32
      %get3A_368 = arith.index_cast %get3A_367 : i32 to index
      %get3A_369 = arith.index_cast %add3A_361 : i32 to index
      %get3A_370 = arith.constant 0 : index
      %get3A_371 = tpu.vector_load %arg10[%get3A_368, %get3A_369, %get3A_370] {strides = array<i32>} : memref<2x128x128xf32, #tpu.memory_space<vmem>>, vector<16xf32>,
      %mul3A_372 = arith.mulf %get3A_366, %get3A_371 : vector<16xf32>
      %reduce_sum3A_373 = arith.constant true
      %reduce_sum3A_374 = vector.broadcast %reduce_sum3A_373 : i1 to vector<16xi1>
      %reduce_sum3A_375 = tpu.scan <sum>, %mul3A_372 masked %reduce_sum3A_374 : vector<16xf32>, vector<16xi1> -> vector<16xf32>
      %reduce_sum3A_376 = vector.extract %reduce_sum3A_375[15] : f32 from vector<16xf32>
      %eq3A_377 = arith.constant 6 : i32
      %eq3A_378 = vector.broadcast %eq3A_377 : i32 to vector<16xi32>
      %eq3A_379 = arith.cmpi eq, %iota3A, %eq3A_378 : vector<16xi32>
      %broadcast_in_dim3A_380 = vector.broadcast %reduce_sum3A_376 : f32 to vector<16xf32>
      %select_n3A_381 = arith.select %eq3A_379, %broadcast_in_dim3A_380, %select_n3A_357 : vector<16xi1>, vector<16xf32>
      %mul3A_382 = arith.constant 16 : i32
      %mul3A_383 = arith.muli %scan3A_216, %mul3A_382 : i32
      %add3A_384 = arith.constant 7 : i32
      %add3A_385 = arith.addi %mul3A_383, %add3A_384 : i32
      %get3A_386 = arith.constant 0 : i32
      %get3A_387 = arith.index_cast %get3A_386 : i32 to index
      %get3A_388 = arith.index_cast %add3A_385 : i32 to index
      %get3A_389 = arith.constant 0 : index
      %get3A_390 = tpu.vector_load %arg9[%get3A_387, %get3A_388, %get3A_389] {strides = array<i32>} : memref<2x128x128xf32, #tpu.memory_space<vmem>>, vector<16xf32>,
      %get3A_391 = arith.constant 0 : i32
      %get3A_392 = arith.index_cast %get3A_391 : i32 to index
      %get3A_393 = arith.index_cast %add3A_385 : i32 to index
      %get3A_394 = arith.constant 0 : index
      %get3A_395 = tpu.vector_load %arg10[%get3A_392, %get3A_393, %get3A_394] {strides = array<i32>} : memref<2x128x128xf32, #tpu.memory_space<vmem>>, vector<16xf32>,
      %mul3A_396 = arith.mulf %get3A_390, %get3A_395 : vector<16xf32>
      %reduce_sum3A_397 = arith.constant true
      %reduce_sum3A_398 = vector.broadcast %reduce_sum3A_397 : i1 to vector<16xi1>
      %reduce_sum3A_399 = tpu.scan <sum>, %mul3A_396 masked %reduce_sum3A_398 : vector<16xf32>, vector<16xi1> -> vector<16xf32>
      %reduce_sum3A_400 = vector.extract %reduce_sum3A_399[15] : f32 from vector<16xf32>
      %eq3A_401 = arith.constant 7 : i32
      %eq3A_402 = vector.broadcast %eq3A_401 : i32 to vector<16xi32>
      %eq3A_403 = arith.cmpi eq, %iota3A, %eq3A_402 : vector<16xi32>
      %broadcast_in_dim3A_404 = vector.broadcast %reduce_sum3A_400 : f32 to vector<16xf32>
      %select_n3A_405 = arith.select %eq3A_403, %broadcast_in_dim3A_404, %select_n3A_381 : vector<16xi1>, vector<16xf32>
      %mul3A_406 = arith.constant 16 : i32
      %mul3A_407 = arith.muli %scan3A_216, %mul3A_406 : i32
      %add3A_408 = arith.constant 8 : i32
      %add3A_409 = arith.addi %mul3A_407, %add3A_408 : i32
      %get3A_410 = arith.constant 0 : i32
      %get3A_411 = arith.index_cast %get3A_410 : i32 to index
      %get3A_412 = arith.index_cast %add3A_409 : i32 to index
      %get3A_413 = arith.constant 0 : index
      %get3A_414 = tpu.vector_load %arg9[%get3A_411, %get3A_412, %get3A_413] {strides = array<i32>} : memref<2x128x128xf32, #tpu.memory_space<vmem>>, vector<16xf32>,
      %get3A_415 = arith.constant 0 : i32
      %get3A_416 = arith.index_cast %get3A_415 : i32 to index
      %get3A_417 = arith.index_cast %add3A_409 : i32 to index
      %get3A_418 = arith.constant 0 : index
      %get3A_419 = tpu.vector_load %arg10[%get3A_416, %get3A_417, %get3A_418] {strides = array<i32>} : memref<2x128x128xf32, #tpu.memory_space<vmem>>, vector<16xf32>,
      %mul3A_420 = arith.mulf %get3A_414, %get3A_419 : vector<16xf32>
      %reduce_sum3A_421 = arith.constant true
      %reduce_sum3A_422 = vector.broadcast %reduce_sum3A_421 : i1 to vector<16xi1>
      %reduce_sum3A_423 = tpu.scan <sum>, %mul3A_420 masked %reduce_sum3A_422 : vector<16xf32>, vector<16xi1> -> vector<16xf32>
      %reduce_sum3A_424 = vector.extract %reduce_sum3A_423[15] : f32 from vector<16xf32>
      %eq3A_425 = arith.constant 8 : i32
      %eq3A_426 = vector.broadcast %eq3A_425 : i32 to vector<16xi32>
      %eq3A_427 = arith.cmpi eq, %iota3A, %eq3A_426 : vector<16xi32>
      %broadcast_in_dim3A_428 = vector.broadcast %reduce_sum3A_424 : f32 to vector<16xf32>
      %select_n3A_429 = arith.select %eq3A_427, %broadcast_in_dim3A_428, %select_n3A_405 : vector<16xi1>, vector<16xf32>
      %mul3A_430 = arith.constant 16 : i32
      %mul3A_431 = arith.muli %scan3A_216, %mul3A_430 : i32
      %add3A_432 = arith.constant 9 : i32
      %add3A_433 = arith.addi %mul3A_431, %add3A_432 : i32
      %get3A_434 = arith.constant 0 : i32
      %get3A_435 = arith.index_cast %get3A_434 : i32 to index
      %get3A_436 = arith.index_cast %add3A_433 : i32 to index
      %get3A_437 = arith.constant 0 : index
      %get3A_438 = tpu.vector_load %arg9[%get3A_435, %get3A_436, %get3A_437] {strides = array<i32>} : memref<2x128x128xf32, #tpu.memory_space<vmem>>, vector<16xf32>,
      %get3A_439 = arith.constant 0 : i32
      %get3A_440 = arith.index_cast %get3A_439 : i32 to index
      %get3A_441 = arith.index_cast %add3A_433 : i32 to index
      %get3A_442 = arith.constant 0 : index
      %get3A_443 = tpu.vector_load %arg10[%get3A_440, %get3A_441, %get3A_442] {strides = array<i32>} : memref<2x128x128xf32, #tpu.memory_space<vmem>>, vector<16xf32>,
      %mul3A_444 = arith.mulf %get3A_438, %get3A_443 : vector<16xf32>
      %reduce_sum3A_445 = arith.constant true
      %reduce_sum3A_446 = vector.broadcast %reduce_sum3A_445 : i1 to vector<16xi1>
      %reduce_sum3A_447 = tpu.scan <sum>, %mul3A_444 masked %reduce_sum3A_446 : vector<16xf32>, vector<16xi1> -> vector<16xf32>
      %reduce_sum3A_448 = vector.extract %reduce_sum3A_447[15] : f32 from vector<16xf32>
      %eq3A_449 = arith.constant 9 : i32
      %eq3A_450 = vector.broadcast %eq3A_449 : i32 to vector<16xi32>
      %eq3A_451 = arith.cmpi eq, %iota3A, %eq3A_450 : vector<16xi32>
      %broadcast_in_dim3A_452 = vector.broadcast %reduce_sum3A_448 : f32 to vector<16xf32>
      %select_n3A_453 = arith.select %eq3A_451, %broadcast_in_dim3A_452, %select_n3A_429 : vector<16xi1>, vector<16xf32>
      %mul3A_454 = arith.constant 16 : i32
      %mul3A_455 = arith.muli %scan3A_216, %mul3A_454 : i32
      %add3A_456 = arith.constant 10 : i32
      %add3A_457 = arith.addi %mul3A_455, %add3A_456 : i32
      %get3A_458 = arith.constant 0 : i32
      %get3A_459 = arith.index_cast %get3A_458 : i32 to index
      %get3A_460 = arith.index_cast %add3A_457 : i32 to index
      %get3A_461 = arith.constant 0 : index
      %get3A_462 = tpu.vector_load %arg9[%get3A_459, %get3A_460, %get3A_461] {strides = array<i32>} : memref<2x128x128xf32, #tpu.memory_space<vmem>>, vector<16xf32>,
      %get3A_463 = arith.constant 0 : i32
      %get3A_464 = arith.index_cast %get3A_463 : i32 to index
      %get3A_465 = arith.index_cast %add3A_457 : i32 to index
      %get3A_466 = arith.constant 0 : index
      %get3A_467 = tpu.vector_load %arg10[%get3A_464, %get3A_465, %get3A_466] {strides = array<i32>} : memref<2x128x128xf32, #tpu.memory_space<vmem>>, vector<16xf32>,
      %mul3A_468 = arith.mulf %get3A_462, %get3A_467 : vector<16xf32>
      %reduce_sum3A_469 = arith.constant true
      %reduce_sum3A_470 = vector.broadcast %reduce_sum3A_469 : i1 to vector<16xi1>
      %reduce_sum3A_471 = tpu.scan <sum>, %mul3A_468 masked %reduce_sum3A_470 : vector<16xf32>, vector<16xi1> -> vector<16xf32>
      %reduce_sum3A_472 = vector.extract %reduce_sum3A_471[15] : f32 from vector<16xf32>
      %eq3A_473 = arith.constant 10 : i32
      %eq3A_474 = vector.broadcast %eq3A_473 : i32 to vector<16xi32>
      %eq3A_475 = arith.cmpi eq, %iota3A, %eq3A_474 : vector<16xi32>
      %broadcast_in_dim3A_476 = vector.broadcast %reduce_sum3A_472 : f32 to vector<16xf32>
      %select_n3A_477 = arith.select %eq3A_475, %broadcast_in_dim3A_476, %select_n3A_453 : vector<16xi1>, vector<16xf32>
      %mul3A_478 = arith.constant 16 : i32
      %mul3A_479 = arith.muli %scan3A_216, %mul3A_478 : i32
      %add3A_480 = arith.constant 11 : i32
      %add3A_481 = arith.addi %mul3A_479, %add3A_480 : i32
      %get3A_482 = arith.constant 0 : i32
      %get3A_483 = arith.index_cast %get3A_482 : i32 to index
      %get3A_484 = arith.index_cast %add3A_481 : i32 to index
      %get3A_485 = arith.constant 0 : index
      %get3A_486 = tpu.vector_load %arg9[%get3A_483, %get3A_484, %get3A_485] {strides = array<i32>} : memref<2x128x128xf32, #tpu.memory_space<vmem>>, vector<16xf32>,
      %get3A_487 = arith.constant 0 : i32
      %get3A_488 = arith.index_cast %get3A_487 : i32 to index
      %get3A_489 = arith.index_cast %add3A_481 : i32 to index
      %get3A_490 = arith.constant 0 : index
      %get3A_491 = tpu.vector_load %arg10[%get3A_488, %get3A_489, %get3A_490] {strides = array<i32>} : memref<2x128x128xf32, #tpu.memory_space<vmem>>, vector<16xf32>,
      %mul3A_492 = arith.mulf %get3A_486, %get3A_491 : vector<16xf32>
      %reduce_sum3A_493 = arith.constant true
      %reduce_sum3A_494 = vector.broadcast %reduce_sum3A_493 : i1 to vector<16xi1>
      %reduce_sum3A_495 = tpu.scan <sum>, %mul3A_492 masked %reduce_sum3A_494 : vector<16xf32>, vector<16xi1> -> vector<16xf32>
      %reduce_sum3A_496 = vector.extract %reduce_sum3A_495[15] : f32 from vector<16xf32>
      %eq3A_497 = arith.constant 11 : i32
      %eq3A_498 = vector.broadcast %eq3A_497 : i32 to vector<16xi32>
      %eq3A_499 = arith.cmpi eq, %iota3A, %eq3A_498 : vector<16xi32>
      %broadcast_in_dim3A_500 = vector.broadcast %reduce_sum3A_496 : f32 to vector<16xf32>
      %select_n3A_501 = arith.select %eq3A_499, %broadcast_in_dim3A_500, %select_n3A_477 : vector<16xi1>, vector<16xf32>
      %mul3A_502 = arith.constant 16 : i32
      %mul3A_503 = arith.muli %scan3A_216, %mul3A_502 : i32
      %add3A_504 = arith.constant 12 : i32
      %add3A_505 = arith.addi %mul3A_503, %add3A_504 : i32
      %get3A_506 = arith.constant 0 : i32
      %get3A_507 = arith.index_cast %get3A_506 : i32 to index
      %get3A_508 = arith.index_cast %add3A_505 : i32 to index
      %get3A_509 = arith.constant 0 : index
      %get3A_510 = tpu.vector_load %arg9[%get3A_507, %get3A_508, %get3A_509] {strides = array<i32>} : memref<2x128x128xf32, #tpu.memory_space<vmem>>, vector<16xf32>,
      %get3A_511 = arith.constant 0 : i32
      %get3A_512 = arith.index_cast %get3A_511 : i32 to index
      %get3A_513 = arith.index_cast %add3A_505 : i32 to index
      %get3A_514 = arith.constant 0 : index
      %get3A_515 = tpu.vector_load %arg10[%get3A_512, %get3A_513, %get3A_514] {strides = array<i32>} : memref<2x128x128xf32, #tpu.memory_space<vmem>>, vector<16xf32>,
      %mul3A_516 = arith.mulf %get3A_510, %get3A_515 : vector<16xf32>
      %reduce_sum3A_517 = arith.constant true
      %reduce_sum3A_518 = vector.broadcast %reduce_sum3A_517 : i1 to vector<16xi1>
      %reduce_sum3A_519 = tpu.scan <sum>, %mul3A_516 masked %reduce_sum3A_518 : vector<16xf32>, vector<16xi1> -> vector<16xf32>
      %reduce_sum3A_520 = vector.extract %reduce_sum3A_519[15] : f32 from vector<16xf32>
      %eq3A_521 = arith.constant 12 : i32
      %eq3A_522 = vector.broadcast %eq3A_521 : i32 to vector<16xi32>
      %eq3A_523 = arith.cmpi eq, %iota3A, %eq3A_522 : vector<16xi32>
      %broadcast_in_dim3A_524 = vector.broadcast %reduce_sum3A_520 : f32 to vector<16xf32>
      %select_n3A_525 = arith.select %eq3A_523, %broadcast_in_dim3A_524, %select_n3A_501 : vector<16xi1>, vector<16xf32>
      %mul3A_526 = arith.constant 16 : i32
      %mul3A_527 = arith.muli %scan3A_216, %mul3A_526 : i32
      %add3A_528 = arith.constant 13 : i32
      %add3A_529 = arith.addi %mul3A_527, %add3A_528 : i32
      %get3A_530 = arith.constant 0 : i32
      %get3A_531 = arith.index_cast %get3A_530 : i32 to index
      %get3A_532 = arith.index_cast %add3A_529 : i32 to index
      %get3A_533 = arith.constant 0 : index
      %get3A_534 = tpu.vector_load %arg9[%get3A_531, %get3A_532, %get3A_533] {strides = array<i32>} : memref<2x128x128xf32, #tpu.memory_space<vmem>>, vector<16xf32>,
      %get3A_535 = arith.constant 0 : i32
      %get3A_536 = arith.index_cast %get3A_535 : i32 to index
      %get3A_537 = arith.index_cast %add3A_529 : i32 to index
      %get3A_538 = arith.constant 0 : index
      %get3A_539 = tpu.vector_load %arg10[%get3A_536, %get3A_537, %get3A_538] {strides = array<i32>} : memref<2x128x128xf32, #tpu.memory_space<vmem>>, vector<16xf32>,
      %mul3A_540 = arith.mulf %get3A_534, %get3A_539 : vector<16xf32>
      %reduce_sum3A_541 = arith.constant true
      %reduce_sum3A_542 = vector.broadcast %reduce_sum3A_541 : i1 to vector<16xi1>
      %reduce_sum3A_543 = tpu.scan <sum>, %mul3A_540 masked %reduce_sum3A_542 : vector<16xf32>, vector<16xi1> -> vector<16xf32>
      %reduce_sum3A_544 = vector.extract %reduce_sum3A_543[15] : f32 from vector<16xf32>
      %eq3A_545 = arith.constant 13 : i32
      %eq3A_546 = vector.broadcast %eq3A_545 : i32 to vector<16xi32>
      %eq3A_547 = arith.cmpi eq, %iota3A, %eq3A_546 : vector<16xi32>
      %broadcast_in_dim3A_548 = vector.broadcast %reduce_sum3A_544 : f32 to vector<16xf32>
      %select_n3A_549 = arith.select %eq3A_547, %broadcast_in_dim3A_548, %select_n3A_525 : vector<16xi1>, vector<16xf32>
      %mul3A_550 = arith.constant 16 : i32
      %mul3A_551 = arith.muli %scan3A_216, %mul3A_550 : i32
      %add3A_552 = arith.constant 14 : i32
      %add3A_553 = arith.addi %mul3A_551, %add3A_552 : i32
      %get3A_554 = arith.constant 0 : i32
      %get3A_555 = arith.index_cast %get3A_554 : i32 to index
      %get3A_556 = arith.index_cast %add3A_553 : i32 to index
      %get3A_557 = arith.constant 0 : index
      %get3A_558 = tpu.vector_load %arg9[%get3A_555, %get3A_556, %get3A_557] {strides = array<i32>} : memref<2x128x128xf32, #tpu.memory_space<vmem>>, vector<16xf32>,
      %get3A_559 = arith.constant 0 : i32
      %get3A_560 = arith.index_cast %get3A_559 : i32 to index
      %get3A_561 = arith.index_cast %add3A_553 : i32 to index
      %get3A_562 = arith.constant 0 : index
      %get3A_563 = tpu.vector_load %arg10[%get3A_560, %get3A_561, %get3A_562] {strides = array<i32>} : memref<2x128x128xf32, #tpu.memory_space<vmem>>, vector<16xf32>,
      %mul3A_564 = arith.mulf %get3A_558, %get3A_563 : vector<16xf32>
      %reduce_sum3A_565 = arith.constant true
      %reduce_sum3A_566 = vector.broadcast %reduce_sum3A_565 : i1 to vector<16xi1>
      %reduce_sum3A_567 = tpu.scan <sum>, %mul3A_564 masked %reduce_sum3A_566 : vector<16xf32>, vector<16xi1> -> vector<16xf32>
      %reduce_sum3A_568 = vector.extract %reduce_sum3A_567[15] : f32 from vector<16xf32>
      %eq3A_569 = arith.constant 14 : i32
      %eq3A_570 = vector.broadcast %eq3A_569 : i32 to vector<16xi32>
      %eq3A_571 = arith.cmpi eq, %iota3A, %eq3A_570 : vector<16xi32>
      %broadcast_in_dim3A_572 = vector.broadcast %reduce_sum3A_568 : f32 to vector<16xf32>
      %select_n3A_573 = arith.select %eq3A_571, %broadcast_in_dim3A_572, %select_n3A_549 : vector<16xi1>, vector<16xf32>
      %mul3A_574 = arith.constant 16 : i32
      %mul3A_575 = arith.muli %scan3A_216, %mul3A_574 : i32
      %add3A_576 = arith.constant 15 : i32
      %add3A_577 = arith.addi %mul3A_575, %add3A_576 : i32
      %get3A_578 = arith.constant 0 : i32
      %get3A_579 = arith.index_cast %get3A_578 : i32 to index
      %get3A_580 = arith.index_cast %add3A_577 : i32 to index
      %get3A_581 = arith.constant 0 : index
      %get3A_582 = tpu.vector_load %arg9[%get3A_579, %get3A_580, %get3A_581] {strides = array<i32>} : memref<2x128x128xf32, #tpu.memory_space<vmem>>, vector<16xf32>,
      %get3A_583 = arith.constant 0 : i32
      %get3A_584 = arith.index_cast %get3A_583 : i32 to index
      %get3A_585 = arith.index_cast %add3A_577 : i32 to index
      %get3A_586 = arith.constant 0 : index
      %get3A_587 = tpu.vector_load %arg10[%get3A_584, %get3A_585, %get3A_586] {strides = array<i32>} : memref<2x128x128xf32, #tpu.memory_space<vmem>>, vector<16xf32>,
      %mul3A_588 = arith.mulf %get3A_582, %get3A_587 : vector<16xf32>
      %reduce_sum3A_589 = arith.constant true
      %reduce_sum3A_590 = vector.broadcast %reduce_sum3A_589 : i1 to vector<16xi1>
      %reduce_sum3A_591 = tpu.scan <sum>, %mul3A_588 masked %reduce_sum3A_590 : vector<16xf32>, vector<16xi1> -> vector<16xf32>
      %reduce_sum3A_592 = vector.extract %reduce_sum3A_591[15] : f32 from vector<16xf32>
      %eq3A_593 = arith.constant 15 : i32
      %eq3A_594 = vector.broadcast %eq3A_593 : i32 to vector<16xi32>
      %eq3A_595 = arith.cmpi eq, %iota3A, %eq3A_594 : vector<16xi32>
      %broadcast_in_dim3A_596 = vector.broadcast %reduce_sum3A_592 : f32 to vector<16xf32>
      %select_n3A_597 = arith.select %eq3A_595, %broadcast_in_dim3A_596, %select_n3A_573 : vector<16xi1>, vector<16xf32>
      %mul3A_598 = arith.constant 16 : i32
      %mul3A_599 = arith.muli %scan3A_216, %mul3A_598 : i32
      %add3A_600 = arith.constant 0 : i32
      %add3A_601 = arith.addi %add3A_600, %mul3A_599 : i32
      %add3A_602 = vector.broadcast %add3A_601 : i32 to vector<16xi32>
      %add3A_603 = arith.addi %add3A_602, %iota3A : vector<16xi32>
      tpu.vector_store_idx %arg11[%add3A_603], %select_n3A_597 : memref<512xf32, #tpu.memory_space<vmem>>[vector<16xi32>], vector<16xf32>,
    }
    %scan3A_77 = arith.constant 8 : i32
    %dma_start3A_78 = arith.constant 2 : i32
    %dma_start3A_79 = arith.constant 0 : i32
    %dma_start3A_80 = arith.constant 0 : i32
    %dma_start3A_81 = arith.constant 0 : i32
    %dma_start3A_82 = tpu.memref_slice %arg9[%dma_start3A_79, %dma_start3A_80, %dma_start3A_81] : memref<2x128x128xf32, #tpu.memory_space<vmem>> -> memref<1x128x128xf32, #tpu.memory_space<vmem>>
    %dma_start3A_83 = tpu.memref_squeeze %dma_start3A_82 : memref<1x128x128xf32, #tpu.memory_space<vmem>> -> memref<128x128xf32, #tpu.memory_space<vmem>>
    %dma_start3A_84 = arith.constant 0 : i32
    %dma_start3A_85 = tpu.memref_slice %arg7[%dma_start3A_78, %dma_start3A_84] : memref<4x128xi32, #tpu.memory_space<vmem>> -> memref<1x128xi32, #tpu.memory_space<vmem>>
    %dma_start3A_86 = tpu.memref_squeeze %dma_start3A_85 : memref<1x128xi32, #tpu.memory_space<vmem>> -> memref<128xi32, #tpu.memory_space<vmem>>
    %dma_start3A_87 = arith.constant 0 : i32
    %dma_start3A_88 = arith.constant 0 : i32
    %dma_start3A_89 = tpu.memref_slice %arg4[%dma_start3A_87, %dma_start3A_88] : memref<1000000x128xf32, #tpu.memory_space<hbm>> -> memref<1000000x128xf32, #tpu.memory_space<hbm>>
    tpu.enqueue_indirect_dma source(%dma_start3A_89 : memref<1000000x128xf32, #tpu.memory_space<hbm>>) target(%dma_start3A_83 : memref<128x128xf32, #tpu.memory_space<vmem>>) offsets(%dma_start3A_86 : memref<128xi32, #tpu.memory_space<vmem>>) semaphore(%arg12 : memref<!tpu.dma_semaphore, #tpu.memory_space<semaphore_mem>>)
    %dma_start3A_90 = arith.constant 2 : i32
    %dma_start3A_91 = arith.constant 0 : i32
    %dma_start3A_92 = arith.constant 0 : i32
    %dma_start3A_93 = arith.constant 0 : i32
    %dma_start3A_94 = tpu.memref_slice %arg10[%dma_start3A_91, %dma_start3A_92, %dma_start3A_93] : memref<2x128x128xf32, #tpu.memory_space<vmem>> -> memref<1x128x128xf32, #tpu.memory_space<vmem>>
    %dma_start3A_95 = tpu.memref_squeeze %dma_start3A_94 : memref<1x128x128xf32, #tpu.memory_space<vmem>> -> memref<128x128xf32, #tpu.memory_space<vmem>>
    %dma_start3A_96 = arith.constant 0 : i32
    %dma_start3A_97 = tpu.memref_slice %arg8[%dma_start3A_90, %dma_start3A_96] : memref<4x128xi32, #tpu.memory_space<vmem>> -> memref<1x128xi32, #tpu.memory_space<vmem>>
    %dma_start3A_98 = tpu.memref_squeeze %dma_start3A_97 : memref<1x128xi32, #tpu.memory_space<vmem>> -> memref<128xi32, #tpu.memory_space<vmem>>
    %dma_start3A_99 = arith.constant 0 : i32
    %dma_start3A_100 = arith.constant 0 : i32
    %dma_start3A_101 = tpu.memref_slice %arg5[%dma_start3A_99, %dma_start3A_100] : memref<1000000x128xf32, #tpu.memory_space<hbm>> -> memref<1000000x128xf32, #tpu.memory_space<hbm>>
    tpu.enqueue_indirect_dma source(%dma_start3A_101 : memref<1000000x128xf32, #tpu.memory_space<hbm>>) target(%dma_start3A_95 : memref<128x128xf32, #tpu.memory_space<vmem>>) offsets(%dma_start3A_98 : memref<128xi32, #tpu.memory_space<vmem>>) semaphore(%arg13 : memref<!tpu.dma_semaphore, #tpu.memory_space<semaphore_mem>>)
    %dma_wait3A_102 = arith.constant 1 : i32
    %dma_wait3A_103 = arith.constant 1 : i32
    %dma_wait3A_104 = arith.constant 0 : i32
    %dma_wait3A_105 = arith.constant 0 : i32
    %dma_wait3A_106 = tpu.memref_slice %arg9[%dma_wait3A_103, %dma_wait3A_104, %dma_wait3A_105] : memref<2x128x128xf32, #tpu.memory_space<vmem>> -> memref<1x128x128xf32, #tpu.memory_space<vmem>>
    %dma_wait3A_107 = tpu.memref_squeeze %dma_wait3A_106 : memref<1x128x128xf32, #tpu.memory_space<vmem>> -> memref<128x128xf32, #tpu.memory_space<vmem>>
    %dma_wait3A_108 = arith.constant 0 : i32
    %dma_wait3A_109 = tpu.memref_slice %arg7[%dma_wait3A_102, %dma_wait3A_108] : memref<4x128xi32, #tpu.memory_space<vmem>> -> memref<1x128xi32, #tpu.memory_space<vmem>>
    %dma_wait3A_110 = tpu.memref_squeeze %dma_wait3A_109 : memref<1x128xi32, #tpu.memory_space<vmem>> -> memref<128xi32, #tpu.memory_space<vmem>>
    %dma_wait3A_111 = arith.constant 0 : i32
    %dma_wait3A_112 = arith.constant 0 : i32
    %dma_wait3A_113 = tpu.memref_slice %arg4[%dma_wait3A_111, %dma_wait3A_112] : memref<1000000x128xf32, #tpu.memory_space<hbm>> -> memref<1000000x128xf32, #tpu.memory_space<hbm>>
    tpu.wait_indirect_dma semaphore(%arg12 : memref<!tpu.dma_semaphore, #tpu.memory_space<semaphore_mem>>) src(%dma_wait3A_113 : memref<1000000x128xf32, #tpu.memory_space<hbm>>) dst(%dma_wait3A_107 : memref<128x128xf32, #tpu.memory_space<vmem>>)
    %dma_wait3A_114 = arith.constant 1 : i32
    %dma_wait3A_115 = arith.constant 1 : i32
    %dma_wait3A_116 = arith.constant 0 : i32
    %dma_wait3A_117 = arith.constant 0 : i32
    %dma_wait3A_118 = tpu.memref_slice %arg10[%dma_wait3A_115, %dma_wait3A_116, %dma_wait3A_117] : memref<2x128x128xf32, #tpu.memory_space<vmem>> -> memref<1x128x128xf32, #tpu.memory_space<vmem>>
    %dma_wait3A_119 = tpu.memref_squeeze %dma_wait3A_118 : memref<1x128x128xf32, #tpu.memory_space<vmem>> -> memref<128x128xf32, #tpu.memory_space<vmem>>
    %dma_wait3A_120 = arith.constant 0 : i32
    %dma_wait3A_121 = tpu.memref_slice %arg8[%dma_wait3A_114, %dma_wait3A_120] : memref<4x128xi32, #tpu.memory_space<vmem>> -> memref<1x128xi32, #tpu.memory_space<vmem>>
    %dma_wait3A_122 = tpu.memref_squeeze %dma_wait3A_121 : memref<1x128xi32, #tpu.memory_space<vmem>> -> memref<128xi32, #tpu.memory_space<vmem>>
    %dma_wait3A_123 = arith.constant 0 : i32
    %dma_wait3A_124 = arith.constant 0 : i32
    %dma_wait3A_125 = tpu.memref_slice %arg5[%dma_wait3A_123, %dma_wait3A_124] : memref<1000000x128xf32, #tpu.memory_space<hbm>> -> memref<1000000x128xf32, #tpu.memory_space<hbm>>
    tpu.wait_indirect_dma semaphore(%arg13 : memref<!tpu.dma_semaphore, #tpu.memory_space<semaphore_mem>>) src(%dma_wait3A_125 : memref<1000000x128xf32, #tpu.memory_space<hbm>>) dst(%dma_wait3A_119 : memref<128x128xf32, #tpu.memory_space<vmem>>)
    %scan3A_126 = arith.constant 0 : i32
    %scan3A_127 = arith.constant 0 : i32
    %scan3A_128 = arith.constant 8 : i32
    %scan3A_129 = arith.addi %scan3A_127, %scan3A_128 : i32
    %scan3A_130 = arith.constant 1 : i32
    scf.for %scan3A_216 = %scan3A_127 to %scan3A_129 step %scan3A_130  : i32 {
      %broadcast_in_dim3A = arith.constant 0.000000e+00 : f32
      %broadcast_in_dim3A_217 = vector.broadcast %broadcast_in_dim3A : f32 to vector<16xf32>
      %mul3A_218 = arith.constant 16 : i32
      %mul3A_219 = arith.muli %scan3A_216, %mul3A_218 : i32
      %add3A_220 = arith.constant 0 : i32
      %add3A_221 = arith.addi %mul3A_219, %add3A_220 : i32
      %get3A = arith.constant 1 : i32
      %get3A_222 = arith.index_cast %get3A : i32 to index
      %get3A_223 = arith.index_cast %add3A_221 : i32 to index
      %get3A_224 = arith.constant 0 : index
      %get3A_225 = tpu.vector_load %arg9[%get3A_222, %get3A_223, %get3A_224] {strides = array<i32>} : memref<2x128x128xf32, #tpu.memory_space<vmem>>, vector<16xf32>,
      %get3A_226 = arith.constant 1 : i32
      %get3A_227 = arith.index_cast %get3A_226 : i32 to index
      %get3A_228 = arith.index_cast %add3A_221 : i32 to index
      %get3A_229 = arith.constant 0 : index
      %get3A_230 = tpu.vector_load %arg10[%get3A_227, %get3A_228, %get3A_229] {strides = array<i32>} : memref<2x128x128xf32, #tpu.memory_space<vmem>>, vector<16xf32>,
      %mul3A_231 = arith.mulf %get3A_225, %get3A_230 : vector<16xf32>
      %reduce_sum3A = arith.constant true
      %reduce_sum3A_232 = vector.broadcast %reduce_sum3A : i1 to vector<16xi1>
      %reduce_sum3A_233 = tpu.scan <sum>, %mul3A_231 masked %reduce_sum3A_232 : vector<16xf32>, vector<16xi1> -> vector<16xf32>
      %reduce_sum3A_234 = vector.extract %reduce_sum3A_233[15] : f32 from vector<16xf32>
      %eq3A = arith.constant 0 : i32
      %eq3A_235 = vector.broadcast %eq3A : i32 to vector<16xi32>
      %eq3A_236 = arith.cmpi eq, %iota3A, %eq3A_235 : vector<16xi32>
      %broadcast_in_dim3A_237 = vector.broadcast %reduce_sum3A_234 : f32 to vector<16xf32>
      %select_n3A = arith.select %eq3A_236, %broadcast_in_dim3A_237, %broadcast_in_dim3A_217 : vector<16xi1>, vector<16xf32>
      %mul3A_238 = arith.constant 16 : i32
      %mul3A_239 = arith.muli %scan3A_216, %mul3A_238 : i32
      %add3A_240 = arith.constant 1 : i32
      %add3A_241 = arith.addi %mul3A_239, %add3A_240 : i32
      %get3A_242 = arith.constant 1 : i32
      %get3A_243 = arith.index_cast %get3A_242 : i32 to index
      %get3A_244 = arith.index_cast %add3A_241 : i32 to index
      %get3A_245 = arith.constant 0 : index
      %get3A_246 = tpu.vector_load %arg9[%get3A_243, %get3A_244, %get3A_245] {strides = array<i32>} : memref<2x128x128xf32, #tpu.memory_space<vmem>>, vector<16xf32>,
      %get3A_247 = arith.constant 1 : i32
      %get3A_248 = arith.index_cast %get3A_247 : i32 to index
      %get3A_249 = arith.index_cast %add3A_241 : i32 to index
      %get3A_250 = arith.constant 0 : index
      %get3A_251 = tpu.vector_load %arg10[%get3A_248, %get3A_249, %get3A_250] {strides = array<i32>} : memref<2x128x128xf32, #tpu.memory_space<vmem>>, vector<16xf32>,
      %mul3A_252 = arith.mulf %get3A_246, %get3A_251 : vector<16xf32>
      %reduce_sum3A_253 = arith.constant true
      %reduce_sum3A_254 = vector.broadcast %reduce_sum3A_253 : i1 to vector<16xi1>
      %reduce_sum3A_255 = tpu.scan <sum>, %mul3A_252 masked %reduce_sum3A_254 : vector<16xf32>, vector<16xi1> -> vector<16xf32>
      %reduce_sum3A_256 = vector.extract %reduce_sum3A_255[15] : f32 from vector<16xf32>
      %eq3A_257 = arith.constant 1 : i32
      %eq3A_258 = vector.broadcast %eq3A_257 : i32 to vector<16xi32>
      %eq3A_259 = arith.cmpi eq, %iota3A, %eq3A_258 : vector<16xi32>
      %broadcast_in_dim3A_260 = vector.broadcast %reduce_sum3A_256 : f32 to vector<16xf32>
      %select_n3A_261 = arith.select %eq3A_259, %broadcast_in_dim3A_260, %select_n3A : vector<16xi1>, vector<16xf32>
      %mul3A_262 = arith.constant 16 : i32
      %mul3A_263 = arith.muli %scan3A_216, %mul3A_262 : i32
      %add3A_264 = arith.constant 2 : i32
      %add3A_265 = arith.addi %mul3A_263, %add3A_264 : i32
      %get3A_266 = arith.constant 1 : i32
      %get3A_267 = arith.index_cast %get3A_266 : i32 to index
      %get3A_268 = arith.index_cast %add3A_265 : i32 to index
      %get3A_269 = arith.constant 0 : index
      %get3A_270 = tpu.vector_load %arg9[%get3A_267, %get3A_268, %get3A_269] {strides = array<i32>} : memref<2x128x128xf32, #tpu.memory_space<vmem>>, vector<16xf32>,
      %get3A_271 = arith.constant 1 : i32
      %get3A_272 = arith.index_cast %get3A_271 : i32 to index
      %get3A_273 = arith.index_cast %add3A_265 : i32 to index
      %get3A_274 = arith.constant 0 : index
      %get3A_275 = tpu.vector_load %arg10[%get3A_272, %get3A_273, %get3A_274] {strides = array<i32>} : memref<2x128x128xf32, #tpu.memory_space<vmem>>, vector<16xf32>,
      %mul3A_276 = arith.mulf %get3A_270, %get3A_275 : vector<16xf32>
      %reduce_sum3A_277 = arith.constant true
      %reduce_sum3A_278 = vector.broadcast %reduce_sum3A_277 : i1 to vector<16xi1>
      %reduce_sum3A_279 = tpu.scan <sum>, %mul3A_276 masked %reduce_sum3A_278 : vector<16xf32>, vector<16xi1> -> vector<16xf32>
      %reduce_sum3A_280 = vector.extract %reduce_sum3A_279[15] : f32 from vector<16xf32>
      %eq3A_281 = arith.constant 2 : i32
      %eq3A_282 = vector.broadcast %eq3A_281 : i32 to vector<16xi32>
      %eq3A_283 = arith.cmpi eq, %iota3A, %eq3A_282 : vector<16xi32>
      %broadcast_in_dim3A_284 = vector.broadcast %reduce_sum3A_280 : f32 to vector<16xf32>
      %select_n3A_285 = arith.select %eq3A_283, %broadcast_in_dim3A_284, %select_n3A_261 : vector<16xi1>, vector<16xf32>
      %mul3A_286 = arith.constant 16 : i32
      %mul3A_287 = arith.muli %scan3A_216, %mul3A_286 : i32
      %add3A_288 = arith.constant 3 : i32
      %add3A_289 = arith.addi %mul3A_287, %add3A_288 : i32
      %get3A_290 = arith.constant 1 : i32
      %get3A_291 = arith.index_cast %get3A_290 : i32 to index
      %get3A_292 = arith.index_cast %add3A_289 : i32 to index
      %get3A_293 = arith.constant 0 : index
      %get3A_294 = tpu.vector_load %arg9[%get3A_291, %get3A_292, %get3A_293] {strides = array<i32>} : memref<2x128x128xf32, #tpu.memory_space<vmem>>, vector<16xf32>,
      %get3A_295 = arith.constant 1 : i32
      %get3A_296 = arith.index_cast %get3A_295 : i32 to index
      %get3A_297 = arith.index_cast %add3A_289 : i32 to index
      %get3A_298 = arith.constant 0 : index
      %get3A_299 = tpu.vector_load %arg10[%get3A_296, %get3A_297, %get3A_298] {strides = array<i32>} : memref<2x128x128xf32, #tpu.memory_space<vmem>>, vector<16xf32>,
      %mul3A_300 = arith.mulf %get3A_294, %get3A_299 : vector<16xf32>
      %reduce_sum3A_301 = arith.constant true
      %reduce_sum3A_302 = vector.broadcast %reduce_sum3A_301 : i1 to vector<16xi1>
      %reduce_sum3A_303 = tpu.scan <sum>, %mul3A_300 masked %reduce_sum3A_302 : vector<16xf32>, vector<16xi1> -> vector<16xf32>
      %reduce_sum3A_304 = vector.extract %reduce_sum3A_303[15] : f32 from vector<16xf32>
      %eq3A_305 = arith.constant 3 : i32
      %eq3A_306 = vector.broadcast %eq3A_305 : i32 to vector<16xi32>
      %eq3A_307 = arith.cmpi eq, %iota3A, %eq3A_306 : vector<16xi32>
      %broadcast_in_dim3A_308 = vector.broadcast %reduce_sum3A_304 : f32 to vector<16xf32>
      %select_n3A_309 = arith.select %eq3A_307, %broadcast_in_dim3A_308, %select_n3A_285 : vector<16xi1>, vector<16xf32>
      %mul3A_310 = arith.constant 16 : i32
      %mul3A_311 = arith.muli %scan3A_216, %mul3A_310 : i32
      %add3A_312 = arith.constant 4 : i32
      %add3A_313 = arith.addi %mul3A_311, %add3A_312 : i32
      %get3A_314 = arith.constant 1 : i32
      %get3A_315 = arith.index_cast %get3A_314 : i32 to index
      %get3A_316 = arith.index_cast %add3A_313 : i32 to index
      %get3A_317 = arith.constant 0 : index
      %get3A_318 = tpu.vector_load %arg9[%get3A_315, %get3A_316, %get3A_317] {strides = array<i32>} : memref<2x128x128xf32, #tpu.memory_space<vmem>>, vector<16xf32>,
      %get3A_319 = arith.constant 1 : i32
      %get3A_320 = arith.index_cast %get3A_319 : i32 to index
      %get3A_321 = arith.index_cast %add3A_313 : i32 to index
      %get3A_322 = arith.constant 0 : index
      %get3A_323 = tpu.vector_load %arg10[%get3A_320, %get3A_321, %get3A_322] {strides = array<i32>} : memref<2x128x128xf32, #tpu.memory_space<vmem>>, vector<16xf32>,
      %mul3A_324 = arith.mulf %get3A_318, %get3A_323 : vector<16xf32>
      %reduce_sum3A_325 = arith.constant true
      %reduce_sum3A_326 = vector.broadcast %reduce_sum3A_325 : i1 to vector<16xi1>
      %reduce_sum3A_327 = tpu.scan <sum>, %mul3A_324 masked %reduce_sum3A_326 : vector<16xf32>, vector<16xi1> -> vector<16xf32>
      %reduce_sum3A_328 = vector.extract %reduce_sum3A_327[15] : f32 from vector<16xf32>
      %eq3A_329 = arith.constant 4 : i32
      %eq3A_330 = vector.broadcast %eq3A_329 : i32 to vector<16xi32>
      %eq3A_331 = arith.cmpi eq, %iota3A, %eq3A_330 : vector<16xi32>
      %broadcast_in_dim3A_332 = vector.broadcast %reduce_sum3A_328 : f32 to vector<16xf32>
      %select_n3A_333 = arith.select %eq3A_331, %broadcast_in_dim3A_332, %select_n3A_309 : vector<16xi1>, vector<16xf32>
      %mul3A_334 = arith.constant 16 : i32
      %mul3A_335 = arith.muli %scan3A_216, %mul3A_334 : i32
      %add3A_336 = arith.constant 5 : i32
      %add3A_337 = arith.addi %mul3A_335, %add3A_336 : i32
      %get3A_338 = arith.constant 1 : i32
      %get3A_339 = arith.index_cast %get3A_338 : i32 to index
      %get3A_340 = arith.index_cast %add3A_337 : i32 to index
      %get3A_341 = arith.constant 0 : index
      %get3A_342 = tpu.vector_load %arg9[%get3A_339, %get3A_340, %get3A_341] {strides = array<i32>} : memref<2x128x128xf32, #tpu.memory_space<vmem>>, vector<16xf32>,
      %get3A_343 = arith.constant 1 : i32
      %get3A_344 = arith.index_cast %get3A_343 : i32 to index
      %get3A_345 = arith.index_cast %add3A_337 : i32 to index
      %get3A_346 = arith.constant 0 : index
      %get3A_347 = tpu.vector_load %arg10[%get3A_344, %get3A_345, %get3A_346] {strides = array<i32>} : memref<2x128x128xf32, #tpu.memory_space<vmem>>, vector<16xf32>,
      %mul3A_348 = arith.mulf %get3A_342, %get3A_347 : vector<16xf32>
      %reduce_sum3A_349 = arith.constant true
      %reduce_sum3A_350 = vector.broadcast %reduce_sum3A_349 : i1 to vector<16xi1>
      %reduce_sum3A_351 = tpu.scan <sum>, %mul3A_348 masked %reduce_sum3A_350 : vector<16xf32>, vector<16xi1> -> vector<16xf32>
      %reduce_sum3A_352 = vector.extract %reduce_sum3A_351[15] : f32 from vector<16xf32>
      %eq3A_353 = arith.constant 5 : i32
      %eq3A_354 = vector.broadcast %eq3A_353 : i32 to vector<16xi32>
      %eq3A_355 = arith.cmpi eq, %iota3A, %eq3A_354 : vector<16xi32>
      %broadcast_in_dim3A_356 = vector.broadcast %reduce_sum3A_352 : f32 to vector<16xf32>
      %select_n3A_357 = arith.select %eq3A_355, %broadcast_in_dim3A_356, %select_n3A_333 : vector<16xi1>, vector<16xf32>
      %mul3A_358 = arith.constant 16 : i32
      %mul3A_359 = arith.muli %scan3A_216, %mul3A_358 : i32
      %add3A_360 = arith.constant 6 : i32
      %add3A_361 = arith.addi %mul3A_359, %add3A_360 : i32
      %get3A_362 = arith.constant 1 : i32
      %get3A_363 = arith.index_cast %get3A_362 : i32 to index
      %get3A_364 = arith.index_cast %add3A_361 : i32 to index
      %get3A_365 = arith.constant 0 : index
      %get3A_366 = tpu.vector_load %arg9[%get3A_363, %get3A_364, %get3A_365] {strides = array<i32>} : memref<2x128x128xf32, #tpu.memory_space<vmem>>, vector<16xf32>,
      %get3A_367 = arith.constant 1 : i32
      %get3A_368 = arith.index_cast %get3A_367 : i32 to index
      %get3A_369 = arith.index_cast %add3A_361 : i32 to index
      %get3A_370 = arith.constant 0 : index
      %get3A_371 = tpu.vector_load %arg10[%get3A_368, %get3A_369, %get3A_370] {strides = array<i32>} : memref<2x128x128xf32, #tpu.memory_space<vmem>>, vector<16xf32>,
      %mul3A_372 = arith.mulf %get3A_366, %get3A_371 : vector<16xf32>
      %reduce_sum3A_373 = arith.constant true
      %reduce_sum3A_374 = vector.broadcast %reduce_sum3A_373 : i1 to vector<16xi1>
      %reduce_sum3A_375 = tpu.scan <sum>, %mul3A_372 masked %reduce_sum3A_374 : vector<16xf32>, vector<16xi1> -> vector<16xf32>
      %reduce_sum3A_376 = vector.extract %reduce_sum3A_375[15] : f32 from vector<16xf32>
      %eq3A_377 = arith.constant 6 : i32
      %eq3A_378 = vector.broadcast %eq3A_377 : i32 to vector<16xi32>
      %eq3A_379 = arith.cmpi eq, %iota3A, %eq3A_378 : vector<16xi32>
      %broadcast_in_dim3A_380 = vector.broadcast %reduce_sum3A_376 : f32 to vector<16xf32>
      %select_n3A_381 = arith.select %eq3A_379, %broadcast_in_dim3A_380, %select_n3A_357 : vector<16xi1>, vector<16xf32>
      %mul3A_382 = arith.constant 16 : i32
      %mul3A_383 = arith.muli %scan3A_216, %mul3A_382 : i32
      %add3A_384 = arith.constant 7 : i32
      %add3A_385 = arith.addi %mul3A_383, %add3A_384 : i32
      %get3A_386 = arith.constant 1 : i32
      %get3A_387 = arith.index_cast %get3A_386 : i32 to index
      %get3A_388 = arith.index_cast %add3A_385 : i32 to index
      %get3A_389 = arith.constant 0 : index
      %get3A_390 = tpu.vector_load %arg9[%get3A_387, %get3A_388, %get3A_389] {strides = array<i32>} : memref<2x128x128xf32, #tpu.memory_space<vmem>>, vector<16xf32>,
      %get3A_391 = arith.constant 1 : i32
      %get3A_392 = arith.index_cast %get3A_391 : i32 to index
      %get3A_393 = arith.index_cast %add3A_385 : i32 to index
      %get3A_394 = arith.constant 0 : index
      %get3A_395 = tpu.vector_load %arg10[%get3A_392, %get3A_393, %get3A_394] {strides = array<i32>} : memref<2x128x128xf32, #tpu.memory_space<vmem>>, vector<16xf32>,
      %mul3A_396 = arith.mulf %get3A_390, %get3A_395 : vector<16xf32>
      %reduce_sum3A_397 = arith.constant true
      %reduce_sum3A_398 = vector.broadcast %reduce_sum3A_397 : i1 to vector<16xi1>
      %reduce_sum3A_399 = tpu.scan <sum>, %mul3A_396 masked %reduce_sum3A_398 : vector<16xf32>, vector<16xi1> -> vector<16xf32>
      %reduce_sum3A_400 = vector.extract %reduce_sum3A_399[15] : f32 from vector<16xf32>
      %eq3A_401 = arith.constant 7 : i32
      %eq3A_402 = vector.broadcast %eq3A_401 : i32 to vector<16xi32>
      %eq3A_403 = arith.cmpi eq, %iota3A, %eq3A_402 : vector<16xi32>
      %broadcast_in_dim3A_404 = vector.broadcast %reduce_sum3A_400 : f32 to vector<16xf32>
      %select_n3A_405 = arith.select %eq3A_403, %broadcast_in_dim3A_404, %select_n3A_381 : vector<16xi1>, vector<16xf32>
      %mul3A_406 = arith.constant 16 : i32
      %mul3A_407 = arith.muli %scan3A_216, %mul3A_406 : i32
      %add3A_408 = arith.constant 8 : i32
      %add3A_409 = arith.addi %mul3A_407, %add3A_408 : i32
      %get3A_410 = arith.constant 1 : i32
      %get3A_411 = arith.index_cast %get3A_410 : i32 to index
      %get3A_412 = arith.index_cast %add3A_409 : i32 to index
      %get3A_413 = arith.constant 0 : index
      %get3A_414 = tpu.vector_load %arg9[%get3A_411, %get3A_412, %get3A_413] {strides = array<i32>} : memref<2x128x128xf32, #tpu.memory_space<vmem>>, vector<16xf32>,
      %get3A_415 = arith.constant 1 : i32
      %get3A_416 = arith.index_cast %get3A_415 : i32 to index
      %get3A_417 = arith.index_cast %add3A_409 : i32 to index
      %get3A_418 = arith.constant 0 : index
      %get3A_419 = tpu.vector_load %arg10[%get3A_416, %get3A_417, %get3A_418] {strides = array<i32>} : memref<2x128x128xf32, #tpu.memory_space<vmem>>, vector<16xf32>,
      %mul3A_420 = arith.mulf %get3A_414, %get3A_419 : vector<16xf32>
      %reduce_sum3A_421 = arith.constant true
      %reduce_sum3A_422 = vector.broadcast %reduce_sum3A_421 : i1 to vector<16xi1>
      %reduce_sum3A_423 = tpu.scan <sum>, %mul3A_420 masked %reduce_sum3A_422 : vector<16xf32>, vector<16xi1> -> vector<16xf32>
      %reduce_sum3A_424 = vector.extract %reduce_sum3A_423[15] : f32 from vector<16xf32>
      %eq3A_425 = arith.constant 8 : i32
      %eq3A_426 = vector.broadcast %eq3A_425 : i32 to vector<16xi32>
      %eq3A_427 = arith.cmpi eq, %iota3A, %eq3A_426 : vector<16xi32>
      %broadcast_in_dim3A_428 = vector.broadcast %reduce_sum3A_424 : f32 to vector<16xf32>
      %select_n3A_429 = arith.select %eq3A_427, %broadcast_in_dim3A_428, %select_n3A_405 : vector<16xi1>, vector<16xf32>
      %mul3A_430 = arith.constant 16 : i32
      %mul3A_431 = arith.muli %scan3A_216, %mul3A_430 : i32
      %add3A_432 = arith.constant 9 : i32
      %add3A_433 = arith.addi %mul3A_431, %add3A_432 : i32
      %get3A_434 = arith.constant 1 : i32
      %get3A_435 = arith.index_cast %get3A_434 : i32 to index
      %get3A_436 = arith.index_cast %add3A_433 : i32 to index
      %get3A_437 = arith.constant 0 : index
      %get3A_438 = tpu.vector_load %arg9[%get3A_435, %get3A_436, %get3A_437] {strides = array<i32>} : memref<2x128x128xf32, #tpu.memory_space<vmem>>, vector<16xf32>,
      %get3A_439 = arith.constant 1 : i32
      %get3A_440 = arith.index_cast %get3A_439 : i32 to index
      %get3A_441 = arith.index_cast %add3A_433 : i32 to index
      %get3A_442 = arith.constant 0 : index
      %get3A_443 = tpu.vector_load %arg10[%get3A_440, %get3A_441, %get3A_442] {strides = array<i32>} : memref<2x128x128xf32, #tpu.memory_space<vmem>>, vector<16xf32>,
      %mul3A_444 = arith.mulf %get3A_438, %get3A_443 : vector<16xf32>
      %reduce_sum3A_445 = arith.constant true
      %reduce_sum3A_446 = vector.broadcast %reduce_sum3A_445 : i1 to vector<16xi1>
      %reduce_sum3A_447 = tpu.scan <sum>, %mul3A_444 masked %reduce_sum3A_446 : vector<16xf32>, vector<16xi1> -> vector<16xf32>
      %reduce_sum3A_448 = vector.extract %reduce_sum3A_447[15] : f32 from vector<16xf32>
      %eq3A_449 = arith.constant 9 : i32
      %eq3A_450 = vector.broadcast %eq3A_449 : i32 to vector<16xi32>
      %eq3A_451 = arith.cmpi eq, %iota3A, %eq3A_450 : vector<16xi32>
      %broadcast_in_dim3A_452 = vector.broadcast %reduce_sum3A_448 : f32 to vector<16xf32>
      %select_n3A_453 = arith.select %eq3A_451, %broadcast_in_dim3A_452, %select_n3A_429 : vector<16xi1>, vector<16xf32>
      %mul3A_454 = arith.constant 16 : i32
      %mul3A_455 = arith.muli %scan3A_216, %mul3A_454 : i32
      %add3A_456 = arith.constant 10 : i32
      %add3A_457 = arith.addi %mul3A_455, %add3A_456 : i32
      %get3A_458 = arith.constant 1 : i32
      %get3A_459 = arith.index_cast %get3A_458 : i32 to index
      %get3A_460 = arith.index_cast %add3A_457 : i32 to index
      %get3A_461 = arith.constant 0 : index
      %get3A_462 = tpu.vector_load %arg9[%get3A_459, %get3A_460, %get3A_461] {strides = array<i32>} : memref<2x128x128xf32, #tpu.memory_space<vmem>>, vector<16xf32>,
      %get3A_463 = arith.constant 1 : i32
      %get3A_464 = arith.index_cast %get3A_463 : i32 to index
      %get3A_465 = arith.index_cast %add3A_457 : i32 to index
      %get3A_466 = arith.constant 0 : index
      %get3A_467 = tpu.vector_load %arg10[%get3A_464, %get3A_465, %get3A_466] {strides = array<i32>} : memref<2x128x128xf32, #tpu.memory_space<vmem>>, vector<16xf32>,
      %mul3A_468 = arith.mulf %get3A_462, %get3A_467 : vector<16xf32>
      %reduce_sum3A_469 = arith.constant true
      %reduce_sum3A_470 = vector.broadcast %reduce_sum3A_469 : i1 to vector<16xi1>
      %reduce_sum3A_471 = tpu.scan <sum>, %mul3A_468 masked %reduce_sum3A_470 : vector<16xf32>, vector<16xi1> -> vector<16xf32>
      %reduce_sum3A_472 = vector.extract %reduce_sum3A_471[15] : f32 from vector<16xf32>
      %eq3A_473 = arith.constant 10 : i32
      %eq3A_474 = vector.broadcast %eq3A_473 : i32 to vector<16xi32>
      %eq3A_475 = arith.cmpi eq, %iota3A, %eq3A_474 : vector<16xi32>
      %broadcast_in_dim3A_476 = vector.broadcast %reduce_sum3A_472 : f32 to vector<16xf32>
      %select_n3A_477 = arith.select %eq3A_475, %broadcast_in_dim3A_476, %select_n3A_453 : vector<16xi1>, vector<16xf32>
      %mul3A_478 = arith.constant 16 : i32
      %mul3A_479 = arith.muli %scan3A_216, %mul3A_478 : i32
      %add3A_480 = arith.constant 11 : i32
      %add3A_481 = arith.addi %mul3A_479, %add3A_480 : i32
      %get3A_482 = arith.constant 1 : i32
      %get3A_483 = arith.index_cast %get3A_482 : i32 to index
      %get3A_484 = arith.index_cast %add3A_481 : i32 to index
      %get3A_485 = arith.constant 0 : index
      %get3A_486 = tpu.vector_load %arg9[%get3A_483, %get3A_484, %get3A_485] {strides = array<i32>} : memref<2x128x128xf32, #tpu.memory_space<vmem>>, vector<16xf32>,
      %get3A_487 = arith.constant 1 : i32
      %get3A_488 = arith.index_cast %get3A_487 : i32 to index
      %get3A_489 = arith.index_cast %add3A_481 : i32 to index
      %get3A_490 = arith.constant 0 : index
      %get3A_491 = tpu.vector_load %arg10[%get3A_488, %get3A_489, %get3A_490] {strides = array<i32>} : memref<2x128x128xf32, #tpu.memory_space<vmem>>, vector<16xf32>,
      %mul3A_492 = arith.mulf %get3A_486, %get3A_491 : vector<16xf32>
      %reduce_sum3A_493 = arith.constant true
      %reduce_sum3A_494 = vector.broadcast %reduce_sum3A_493 : i1 to vector<16xi1>
      %reduce_sum3A_495 = tpu.scan <sum>, %mul3A_492 masked %reduce_sum3A_494 : vector<16xf32>, vector<16xi1> -> vector<16xf32>
      %reduce_sum3A_496 = vector.extract %reduce_sum3A_495[15] : f32 from vector<16xf32>
      %eq3A_497 = arith.constant 11 : i32
      %eq3A_498 = vector.broadcast %eq3A_497 : i32 to vector<16xi32>
      %eq3A_499 = arith.cmpi eq, %iota3A, %eq3A_498 : vector<16xi32>
      %broadcast_in_dim3A_500 = vector.broadcast %reduce_sum3A_496 : f32 to vector<16xf32>
      %select_n3A_501 = arith.select %eq3A_499, %broadcast_in_dim3A_500, %select_n3A_477 : vector<16xi1>, vector<16xf32>
      %mul3A_502 = arith.constant 16 : i32
      %mul3A_503 = arith.muli %scan3A_216, %mul3A_502 : i32
      %add3A_504 = arith.constant 12 : i32
      %add3A_505 = arith.addi %mul3A_503, %add3A_504 : i32
      %get3A_506 = arith.constant 1 : i32
      %get3A_507 = arith.index_cast %get3A_506 : i32 to index
      %get3A_508 = arith.index_cast %add3A_505 : i32 to index
      %get3A_509 = arith.constant 0 : index
      %get3A_510 = tpu.vector_load %arg9[%get3A_507, %get3A_508, %get3A_509] {strides = array<i32>} : memref<2x128x128xf32, #tpu.memory_space<vmem>>, vector<16xf32>,
      %get3A_511 = arith.constant 1 : i32
      %get3A_512 = arith.index_cast %get3A_511 : i32 to index
      %get3A_513 = arith.index_cast %add3A_505 : i32 to index
      %get3A_514 = arith.constant 0 : index
      %get3A_515 = tpu.vector_load %arg10[%get3A_512, %get3A_513, %get3A_514] {strides = array<i32>} : memref<2x128x128xf32, #tpu.memory_space<vmem>>, vector<16xf32>,
      %mul3A_516 = arith.mulf %get3A_510, %get3A_515 : vector<16xf32>
      %reduce_sum3A_517 = arith.constant true
      %reduce_sum3A_518 = vector.broadcast %reduce_sum3A_517 : i1 to vector<16xi1>
      %reduce_sum3A_519 = tpu.scan <sum>, %mul3A_516 masked %reduce_sum3A_518 : vector<16xf32>, vector<16xi1> -> vector<16xf32>
      %reduce_sum3A_520 = vector.extract %reduce_sum3A_519[15] : f32 from vector<16xf32>
      %eq3A_521 = arith.constant 12 : i32
      %eq3A_522 = vector.broadcast %eq3A_521 : i32 to vector<16xi32>
      %eq3A_523 = arith.cmpi eq, %iota3A, %eq3A_522 : vector<16xi32>
      %broadcast_in_dim3A_524 = vector.broadcast %reduce_sum3A_520 : f32 to vector<16xf32>
      %select_n3A_525 = arith.select %eq3A_523, %broadcast_in_dim3A_524, %select_n3A_501 : vector<16xi1>, vector<16xf32>
      %mul3A_526 = arith.constant 16 : i32
      %mul3A_527 = arith.muli %scan3A_216, %mul3A_526 : i32
      %add3A_528 = arith.constant 13 : i32
      %add3A_529 = arith.addi %mul3A_527, %add3A_528 : i32
      %get3A_530 = arith.constant 1 : i32
      %get3A_531 = arith.index_cast %get3A_530 : i32 to index
      %get3A_532 = arith.index_cast %add3A_529 : i32 to index
      %get3A_533 = arith.constant 0 : index
      %get3A_534 = tpu.vector_load %arg9[%get3A_531, %get3A_532, %get3A_533] {strides = array<i32>} : memref<2x128x128xf32, #tpu.memory_space<vmem>>, vector<16xf32>,
      %get3A_535 = arith.constant 1 : i32
      %get3A_536 = arith.index_cast %get3A_535 : i32 to index
      %get3A_537 = arith.index_cast %add3A_529 : i32 to index
      %get3A_538 = arith.constant 0 : index
      %get3A_539 = tpu.vector_load %arg10[%get3A_536, %get3A_537, %get3A_538] {strides = array<i32>} : memref<2x128x128xf32, #tpu.memory_space<vmem>>, vector<16xf32>,
      %mul3A_540 = arith.mulf %get3A_534, %get3A_539 : vector<16xf32>
      %reduce_sum3A_541 = arith.constant true
      %reduce_sum3A_542 = vector.broadcast %reduce_sum3A_541 : i1 to vector<16xi1>
      %reduce_sum3A_543 = tpu.scan <sum>, %mul3A_540 masked %reduce_sum3A_542 : vector<16xf32>, vector<16xi1> -> vector<16xf32>
      %reduce_sum3A_544 = vector.extract %reduce_sum3A_543[15] : f32 from vector<16xf32>
      %eq3A_545 = arith.constant 13 : i32
      %eq3A_546 = vector.broadcast %eq3A_545 : i32 to vector<16xi32>
      %eq3A_547 = arith.cmpi eq, %iota3A, %eq3A_546 : vector<16xi32>
      %broadcast_in_dim3A_548 = vector.broadcast %reduce_sum3A_544 : f32 to vector<16xf32>
      %select_n3A_549 = arith.select %eq3A_547, %broadcast_in_dim3A_548, %select_n3A_525 : vector<16xi1>, vector<16xf32>
      %mul3A_550 = arith.constant 16 : i32
      %mul3A_551 = arith.muli %scan3A_216, %mul3A_550 : i32
      %add3A_552 = arith.constant 14 : i32
      %add3A_553 = arith.addi %mul3A_551, %add3A_552 : i32
      %get3A_554 = arith.constant 1 : i32
      %get3A_555 = arith.index_cast %get3A_554 : i32 to index
      %get3A_556 = arith.index_cast %add3A_553 : i32 to index
      %get3A_557 = arith.constant 0 : index
      %get3A_558 = tpu.vector_load %arg9[%get3A_555, %get3A_556, %get3A_557] {strides = array<i32>} : memref<2x128x128xf32, #tpu.memory_space<vmem>>, vector<16xf32>,
      %get3A_559 = arith.constant 1 : i32
      %get3A_560 = arith.index_cast %get3A_559 : i32 to index
      %get3A_561 = arith.index_cast %add3A_553 : i32 to index
      %get3A_562 = arith.constant 0 : index
      %get3A_563 = tpu.vector_load %arg10[%get3A_560, %get3A_561, %get3A_562] {strides = array<i32>} : memref<2x128x128xf32, #tpu.memory_space<vmem>>, vector<16xf32>,
      %mul3A_564 = arith.mulf %get3A_558, %get3A_563 : vector<16xf32>
      %reduce_sum3A_565 = arith.constant true
      %reduce_sum3A_566 = vector.broadcast %reduce_sum3A_565 : i1 to vector<16xi1>
      %reduce_sum3A_567 = tpu.scan <sum>, %mul3A_564 masked %reduce_sum3A_566 : vector<16xf32>, vector<16xi1> -> vector<16xf32>
      %reduce_sum3A_568 = vector.extract %reduce_sum3A_567[15] : f32 from vector<16xf32>
      %eq3A_569 = arith.constant 14 : i32
      %eq3A_570 = vector.broadcast %eq3A_569 : i32 to vector<16xi32>
      %eq3A_571 = arith.cmpi eq, %iota3A, %eq3A_570 : vector<16xi32>
      %broadcast_in_dim3A_572 = vector.broadcast %reduce_sum3A_568 : f32 to vector<16xf32>
      %select_n3A_573 = arith.select %eq3A_571, %broadcast_in_dim3A_572, %select_n3A_549 : vector<16xi1>, vector<16xf32>
      %mul3A_574 = arith.constant 16 : i32
      %mul3A_575 = arith.muli %scan3A_216, %mul3A_574 : i32
      %add3A_576 = arith.constant 15 : i32
      %add3A_577 = arith.addi %mul3A_575, %add3A_576 : i32
      %get3A_578 = arith.constant 1 : i32
      %get3A_579 = arith.index_cast %get3A_578 : i32 to index
      %get3A_580 = arith.index_cast %add3A_577 : i32 to index
      %get3A_581 = arith.constant 0 : index
      %get3A_582 = tpu.vector_load %arg9[%get3A_579, %get3A_580, %get3A_581] {strides = array<i32>} : memref<2x128x128xf32, #tpu.memory_space<vmem>>, vector<16xf32>,
      %get3A_583 = arith.constant 1 : i32
      %get3A_584 = arith.index_cast %get3A_583 : i32 to index
      %get3A_585 = arith.index_cast %add3A_577 : i32 to index
      %get3A_586 = arith.constant 0 : index
      %get3A_587 = tpu.vector_load %arg10[%get3A_584, %get3A_585, %get3A_586] {strides = array<i32>} : memref<2x128x128xf32, #tpu.memory_space<vmem>>, vector<16xf32>,
      %mul3A_588 = arith.mulf %get3A_582, %get3A_587 : vector<16xf32>
      %reduce_sum3A_589 = arith.constant true
      %reduce_sum3A_590 = vector.broadcast %reduce_sum3A_589 : i1 to vector<16xi1>
      %reduce_sum3A_591 = tpu.scan <sum>, %mul3A_588 masked %reduce_sum3A_590 : vector<16xf32>, vector<16xi1> -> vector<16xf32>
      %reduce_sum3A_592 = vector.extract %reduce_sum3A_591[15] : f32 from vector<16xf32>
      %eq3A_593 = arith.constant 15 : i32
      %eq3A_594 = vector.broadcast %eq3A_593 : i32 to vector<16xi32>
      %eq3A_595 = arith.cmpi eq, %iota3A, %eq3A_594 : vector<16xi32>
      %broadcast_in_dim3A_596 = vector.broadcast %reduce_sum3A_592 : f32 to vector<16xf32>
      %select_n3A_597 = arith.select %eq3A_595, %broadcast_in_dim3A_596, %select_n3A_573 : vector<16xi1>, vector<16xf32>
      %mul3A_598 = arith.constant 16 : i32
      %mul3A_599 = arith.muli %scan3A_216, %mul3A_598 : i32
      %add3A_600 = arith.constant 128 : i32
      %add3A_601 = arith.addi %add3A_600, %mul3A_599 : i32
      %add3A_602 = vector.broadcast %add3A_601 : i32 to vector<16xi32>
      %add3A_603 = arith.addi %add3A_602, %iota3A : vector<16xi32>
      tpu.vector_store_idx %arg11[%add3A_603], %select_n3A_597 : memref<512xf32, #tpu.memory_space<vmem>>[vector<16xi32>], vector<16xf32>,
    }
    %scan3A_131 = arith.constant 8 : i32
    %dma_start3A_132 = arith.constant 3 : i32
    %dma_start3A_133 = arith.constant 1 : i32
    %dma_start3A_134 = arith.constant 0 : i32
    %dma_start3A_135 = arith.constant 0 : i32
    %dma_start3A_136 = tpu.memref_slice %arg9[%dma_start3A_133, %dma_start3A_134, %dma_start3A_135] : memref<2x128x128xf32, #tpu.memory_space<vmem>> -> memref<1x128x128xf32, #tpu.memory_space<vmem>>
    %dma_start3A_137 = tpu.memref_squeeze %dma_start3A_136 : memref<1x128x128xf32, #tpu.memory_space<vmem>> -> memref<128x128xf32, #tpu.memory_space<vmem>>
    %dma_start3A_138 = arith.constant 0 : i32
    %dma_start3A_139 = tpu.memref_slice %arg7[%dma_start3A_132, %dma_start3A_138] : memref<4x128xi32, #tpu.memory_space<vmem>> -> memref<1x128xi32, #tpu.memory_space<vmem>>
    %dma_start3A_140 = tpu.memref_squeeze %dma_start3A_139 : memref<1x128xi32, #tpu.memory_space<vmem>> -> memref<128xi32, #tpu.memory_space<vmem>>
    %dma_start3A_141 = arith.constant 0 : i32
    %dma_start3A_142 = arith.constant 0 : i32
    %dma_start3A_143 = tpu.memref_slice %arg4[%dma_start3A_141, %dma_start3A_142] : memref<1000000x128xf32, #tpu.memory_space<hbm>> -> memref<1000000x128xf32, #tpu.memory_space<hbm>>
    tpu.enqueue_indirect_dma source(%dma_start3A_143 : memref<1000000x128xf32, #tpu.memory_space<hbm>>) target(%dma_start3A_137 : memref<128x128xf32, #tpu.memory_space<vmem>>) offsets(%dma_start3A_140 : memref<128xi32, #tpu.memory_space<vmem>>) semaphore(%arg12 : memref<!tpu.dma_semaphore, #tpu.memory_space<semaphore_mem>>)
    %dma_start3A_144 = arith.constant 3 : i32
    %dma_start3A_145 = arith.constant 1 : i32
    %dma_start3A_146 = arith.constant 0 : i32
    %dma_start3A_147 = arith.constant 0 : i32
    %dma_start3A_148 = tpu.memref_slice %arg10[%dma_start3A_145, %dma_start3A_146, %dma_start3A_147] : memref<2x128x128xf32, #tpu.memory_space<vmem>> -> memref<1x128x128xf32, #tpu.memory_space<vmem>>
    %dma_start3A_149 = tpu.memref_squeeze %dma_start3A_148 : memref<1x128x128xf32, #tpu.memory_space<vmem>> -> memref<128x128xf32, #tpu.memory_space<vmem>>
    %dma_start3A_150 = arith.constant 0 : i32
    %dma_start3A_151 = tpu.memref_slice %arg8[%dma_start3A_144, %dma_start3A_150] : memref<4x128xi32, #tpu.memory_space<vmem>> -> memref<1x128xi32, #tpu.memory_space<vmem>>
    %dma_start3A_152 = tpu.memref_squeeze %dma_start3A_151 : memref<1x128xi32, #tpu.memory_space<vmem>> -> memref<128xi32, #tpu.memory_space<vmem>>
    %dma_start3A_153 = arith.constant 0 : i32
    %dma_start3A_154 = arith.constant 0 : i32
    %dma_start3A_155 = tpu.memref_slice %arg5[%dma_start3A_153, %dma_start3A_154] : memref<1000000x128xf32, #tpu.memory_space<hbm>> -> memref<1000000x128xf32, #tpu.memory_space<hbm>>
    tpu.enqueue_indirect_dma source(%dma_start3A_155 : memref<1000000x128xf32, #tpu.memory_space<hbm>>) target(%dma_start3A_149 : memref<128x128xf32, #tpu.memory_space<vmem>>) offsets(%dma_start3A_152 : memref<128xi32, #tpu.memory_space<vmem>>) semaphore(%arg13 : memref<!tpu.dma_semaphore, #tpu.memory_space<semaphore_mem>>)
    %dma_wait3A_156 = arith.constant 2 : i32
    %dma_wait3A_157 = arith.constant 0 : i32
    %dma_wait3A_158 = arith.constant 0 : i32
    %dma_wait3A_159 = arith.constant 0 : i32
    %dma_wait3A_160 = tpu.memref_slice %arg9[%dma_wait3A_157, %dma_wait3A_158, %dma_wait3A_159] : memref<2x128x128xf32, #tpu.memory_space<vmem>> -> memref<1x128x128xf32, #tpu.memory_space<vmem>>
    %dma_wait3A_161 = tpu.memref_squeeze %dma_wait3A_160 : memref<1x128x128xf32, #tpu.memory_space<vmem>> -> memref<128x128xf32, #tpu.memory_space<vmem>>
    %dma_wait3A_162 = arith.constant 0 : i32
    %dma_wait3A_163 = tpu.memref_slice %arg7[%dma_wait3A_156, %dma_wait3A_162] : memref<4x128xi32, #tpu.memory_space<vmem>> -> memref<1x128xi32, #tpu.memory_space<vmem>>
    %dma_wait3A_164 = tpu.memref_squeeze %dma_wait3A_163 : memref<1x128xi32, #tpu.memory_space<vmem>> -> memref<128xi32, #tpu.memory_space<vmem>>
    %dma_wait3A_165 = arith.constant 0 : i32
    %dma_wait3A_166 = arith.constant 0 : i32
    %dma_wait3A_167 = tpu.memref_slice %arg4[%dma_wait3A_165, %dma_wait3A_166] : memref<1000000x128xf32, #tpu.memory_space<hbm>> -> memref<1000000x128xf32, #tpu.memory_space<hbm>>
    tpu.wait_indirect_dma semaphore(%arg12 : memref<!tpu.dma_semaphore, #tpu.memory_space<semaphore_mem>>) src(%dma_wait3A_167 : memref<1000000x128xf32, #tpu.memory_space<hbm>>) dst(%dma_wait3A_161 : memref<128x128xf32, #tpu.memory_space<vmem>>)
    %dma_wait3A_168 = arith.constant 2 : i32
    %dma_wait3A_169 = arith.constant 0 : i32
    %dma_wait3A_170 = arith.constant 0 : i32
    %dma_wait3A_171 = arith.constant 0 : i32
    %dma_wait3A_172 = tpu.memref_slice %arg10[%dma_wait3A_169, %dma_wait3A_170, %dma_wait3A_171] : memref<2x128x128xf32, #tpu.memory_space<vmem>> -> memref<1x128x128xf32, #tpu.memory_space<vmem>>
    %dma_wait3A_173 = tpu.memref_squeeze %dma_wait3A_172 : memref<1x128x128xf32, #tpu.memory_space<vmem>> -> memref<128x128xf32, #tpu.memory_space<vmem>>
    %dma_wait3A_174 = arith.constant 0 : i32
    %dma_wait3A_175 = tpu.memref_slice %arg8[%dma_wait3A_168, %dma_wait3A_174] : memref<4x128xi32, #tpu.memory_space<vmem>> -> memref<1x128xi32, #tpu.memory_space<vmem>>
    %dma_wait3A_176 = tpu.memref_squeeze %dma_wait3A_175 : memref<1x128xi32, #tpu.memory_space<vmem>> -> memref<128xi32, #tpu.memory_space<vmem>>
    %dma_wait3A_177 = arith.constant 0 : i32
    %dma_wait3A_178 = arith.constant 0 : i32
    %dma_wait3A_179 = tpu.memref_slice %arg5[%dma_wait3A_177, %dma_wait3A_178] : memref<1000000x128xf32, #tpu.memory_space<hbm>> -> memref<1000000x128xf32, #tpu.memory_space<hbm>>
    tpu.wait_indirect_dma semaphore(%arg13 : memref<!tpu.dma_semaphore, #tpu.memory_space<semaphore_mem>>) src(%dma_wait3A_179 : memref<1000000x128xf32, #tpu.memory_space<hbm>>) dst(%dma_wait3A_173 : memref<128x128xf32, #tpu.memory_space<vmem>>)
    %scan3A_180 = arith.constant 0 : i32
    %scan3A_181 = arith.constant 0 : i32
    %scan3A_182 = arith.constant 8 : i32
    %scan3A_183 = arith.addi %scan3A_181, %scan3A_182 : i32
    %scan3A_184 = arith.constant 1 : i32
    scf.for %scan3A_216 = %scan3A_181 to %scan3A_183 step %scan3A_184  : i32 {
      %broadcast_in_dim3A = arith.constant 0.000000e+00 : f32
      %broadcast_in_dim3A_217 = vector.broadcast %broadcast_in_dim3A : f32 to vector<16xf32>
      %mul3A_218 = arith.constant 16 : i32
      %mul3A_219 = arith.muli %scan3A_216, %mul3A_218 : i32
      %add3A_220 = arith.constant 0 : i32
      %add3A_221 = arith.addi %mul3A_219, %add3A_220 : i32
      %get3A = arith.constant 0 : i32
      %get3A_222 = arith.index_cast %get3A : i32 to index
      %get3A_223 = arith.index_cast %add3A_221 : i32 to index
      %get3A_224 = arith.constant 0 : index
      %get3A_225 = tpu.vector_load %arg9[%get3A_222, %get3A_223, %get3A_224] {strides = array<i32>} : memref<2x128x128xf32, #tpu.memory_space<vmem>>, vector<16xf32>,
      %get3A_226 = arith.constant 0 : i32
      %get3A_227 = arith.index_cast %get3A_226 : i32 to index
      %get3A_228 = arith.index_cast %add3A_221 : i32 to index
      %get3A_229 = arith.constant 0 : index
      %get3A_230 = tpu.vector_load %arg10[%get3A_227, %get3A_228, %get3A_229] {strides = array<i32>} : memref<2x128x128xf32, #tpu.memory_space<vmem>>, vector<16xf32>,
      %mul3A_231 = arith.mulf %get3A_225, %get3A_230 : vector<16xf32>
      %reduce_sum3A = arith.constant true
      %reduce_sum3A_232 = vector.broadcast %reduce_sum3A : i1 to vector<16xi1>
      %reduce_sum3A_233 = tpu.scan <sum>, %mul3A_231 masked %reduce_sum3A_232 : vector<16xf32>, vector<16xi1> -> vector<16xf32>
      %reduce_sum3A_234 = vector.extract %reduce_sum3A_233[15] : f32 from vector<16xf32>
      %eq3A = arith.constant 0 : i32
      %eq3A_235 = vector.broadcast %eq3A : i32 to vector<16xi32>
      %eq3A_236 = arith.cmpi eq, %iota3A, %eq3A_235 : vector<16xi32>
      %broadcast_in_dim3A_237 = vector.broadcast %reduce_sum3A_234 : f32 to vector<16xf32>
      %select_n3A = arith.select %eq3A_236, %broadcast_in_dim3A_237, %broadcast_in_dim3A_217 : vector<16xi1>, vector<16xf32>
      %mul3A_238 = arith.constant 16 : i32
      %mul3A_239 = arith.muli %scan3A_216, %mul3A_238 : i32
      %add3A_240 = arith.constant 1 : i32
      %add3A_241 = arith.addi %mul3A_239, %add3A_240 : i32
      %get3A_242 = arith.constant 0 : i32
      %get3A_243 = arith.index_cast %get3A_242 : i32 to index
      %get3A_244 = arith.index_cast %add3A_241 : i32 to index
      %get3A_245 = arith.constant 0 : index
      %get3A_246 = tpu.vector_load %arg9[%get3A_243, %get3A_244, %get3A_245] {strides = array<i32>} : memref<2x128x128xf32, #tpu.memory_space<vmem>>, vector<16xf32>,
      %get3A_247 = arith.constant 0 : i32
      %get3A_248 = arith.index_cast %get3A_247 : i32 to index
      %get3A_249 = arith.index_cast %add3A_241 : i32 to index
      %get3A_250 = arith.constant 0 : index
      %get3A_251 = tpu.vector_load %arg10[%get3A_248, %get3A_249, %get3A_250] {strides = array<i32>} : memref<2x128x128xf32, #tpu.memory_space<vmem>>, vector<16xf32>,
      %mul3A_252 = arith.mulf %get3A_246, %get3A_251 : vector<16xf32>
      %reduce_sum3A_253 = arith.constant true
      %reduce_sum3A_254 = vector.broadcast %reduce_sum3A_253 : i1 to vector<16xi1>
      %reduce_sum3A_255 = tpu.scan <sum>, %mul3A_252 masked %reduce_sum3A_254 : vector<16xf32>, vector<16xi1> -> vector<16xf32>
      %reduce_sum3A_256 = vector.extract %reduce_sum3A_255[15] : f32 from vector<16xf32>
      %eq3A_257 = arith.constant 1 : i32
      %eq3A_258 = vector.broadcast %eq3A_257 : i32 to vector<16xi32>
      %eq3A_259 = arith.cmpi eq, %iota3A, %eq3A_258 : vector<16xi32>
      %broadcast_in_dim3A_260 = vector.broadcast %reduce_sum3A_256 : f32 to vector<16xf32>
      %select_n3A_261 = arith.select %eq3A_259, %broadcast_in_dim3A_260, %select_n3A : vector<16xi1>, vector<16xf32>
      %mul3A_262 = arith.constant 16 : i32
      %mul3A_263 = arith.muli %scan3A_216, %mul3A_262 : i32
      %add3A_264 = arith.constant 2 : i32
      %add3A_265 = arith.addi %mul3A_263, %add3A_264 : i32
      %get3A_266 = arith.constant 0 : i32
      %get3A_267 = arith.index_cast %get3A_266 : i32 to index
      %get3A_268 = arith.index_cast %add3A_265 : i32 to index
      %get3A_269 = arith.constant 0 : index
      %get3A_270 = tpu.vector_load %arg9[%get3A_267, %get3A_268, %get3A_269] {strides = array<i32>} : memref<2x128x128xf32, #tpu.memory_space<vmem>>, vector<16xf32>,
      %get3A_271 = arith.constant 0 : i32
      %get3A_272 = arith.index_cast %get3A_271 : i32 to index
      %get3A_273 = arith.index_cast %add3A_265 : i32 to index
      %get3A_274 = arith.constant 0 : index
      %get3A_275 = tpu.vector_load %arg10[%get3A_272, %get3A_273, %get3A_274] {strides = array<i32>} : memref<2x128x128xf32, #tpu.memory_space<vmem>>, vector<16xf32>,
      %mul3A_276 = arith.mulf %get3A_270, %get3A_275 : vector<16xf32>
      %reduce_sum3A_277 = arith.constant true
      %reduce_sum3A_278 = vector.broadcast %reduce_sum3A_277 : i1 to vector<16xi1>
      %reduce_sum3A_279 = tpu.scan <sum>, %mul3A_276 masked %reduce_sum3A_278 : vector<16xf32>, vector<16xi1> -> vector<16xf32>
      %reduce_sum3A_280 = vector.extract %reduce_sum3A_279[15] : f32 from vector<16xf32>
      %eq3A_281 = arith.constant 2 : i32
      %eq3A_282 = vector.broadcast %eq3A_281 : i32 to vector<16xi32>
      %eq3A_283 = arith.cmpi eq, %iota3A, %eq3A_282 : vector<16xi32>
      %broadcast_in_dim3A_284 = vector.broadcast %reduce_sum3A_280 : f32 to vector<16xf32>
      %select_n3A_285 = arith.select %eq3A_283, %broadcast_in_dim3A_284, %select_n3A_261 : vector<16xi1>, vector<16xf32>
      %mul3A_286 = arith.constant 16 : i32
      %mul3A_287 = arith.muli %scan3A_216, %mul3A_286 : i32
      %add3A_288 = arith.constant 3 : i32
      %add3A_289 = arith.addi %mul3A_287, %add3A_288 : i32
      %get3A_290 = arith.constant 0 : i32
      %get3A_291 = arith.index_cast %get3A_290 : i32 to index
      %get3A_292 = arith.index_cast %add3A_289 : i32 to index
      %get3A_293 = arith.constant 0 : index
      %get3A_294 = tpu.vector_load %arg9[%get3A_291, %get3A_292, %get3A_293] {strides = array<i32>} : memref<2x128x128xf32, #tpu.memory_space<vmem>>, vector<16xf32>,
      %get3A_295 = arith.constant 0 : i32
      %get3A_296 = arith.index_cast %get3A_295 : i32 to index
      %get3A_297 = arith.index_cast %add3A_289 : i32 to index
      %get3A_298 = arith.constant 0 : index
      %get3A_299 = tpu.vector_load %arg10[%get3A_296, %get3A_297, %get3A_298] {strides = array<i32>} : memref<2x128x128xf32, #tpu.memory_space<vmem>>, vector<16xf32>,
      %mul3A_300 = arith.mulf %get3A_294, %get3A_299 : vector<16xf32>
      %reduce_sum3A_301 = arith.constant true
      %reduce_sum3A_302 = vector.broadcast %reduce_sum3A_301 : i1 to vector<16xi1>
      %reduce_sum3A_303 = tpu.scan <sum>, %mul3A_300 masked %reduce_sum3A_302 : vector<16xf32>, vector<16xi1> -> vector<16xf32>
      %reduce_sum3A_304 = vector.extract %reduce_sum3A_303[15] : f32 from vector<16xf32>
      %eq3A_305 = arith.constant 3 : i32
      %eq3A_306 = vector.broadcast %eq3A_305 : i32 to vector<16xi32>
      %eq3A_307 = arith.cmpi eq, %iota3A, %eq3A_306 : vector<16xi32>
      %broadcast_in_dim3A_308 = vector.broadcast %reduce_sum3A_304 : f32 to vector<16xf32>
      %select_n3A_309 = arith.select %eq3A_307, %broadcast_in_dim3A_308, %select_n3A_285 : vector<16xi1>, vector<16xf32>
      %mul3A_310 = arith.constant 16 : i32
      %mul3A_311 = arith.muli %scan3A_216, %mul3A_310 : i32
      %add3A_312 = arith.constant 4 : i32
      %add3A_313 = arith.addi %mul3A_311, %add3A_312 : i32
      %get3A_314 = arith.constant 0 : i32
      %get3A_315 = arith.index_cast %get3A_314 : i32 to index
      %get3A_316 = arith.index_cast %add3A_313 : i32 to index
      %get3A_317 = arith.constant 0 : index
      %get3A_318 = tpu.vector_load %arg9[%get3A_315, %get3A_316, %get3A_317] {strides = array<i32>} : memref<2x128x128xf32, #tpu.memory_space<vmem>>, vector<16xf32>,
      %get3A_319 = arith.constant 0 : i32
      %get3A_320 = arith.index_cast %get3A_319 : i32 to index
      %get3A_321 = arith.index_cast %add3A_313 : i32 to index
      %get3A_322 = arith.constant 0 : index
      %get3A_323 = tpu.vector_load %arg10[%get3A_320, %get3A_321, %get3A_322] {strides = array<i32>} : memref<2x128x128xf32, #tpu.memory_space<vmem>>, vector<16xf32>,
      %mul3A_324 = arith.mulf %get3A_318, %get3A_323 : vector<16xf32>
      %reduce_sum3A_325 = arith.constant true
      %reduce_sum3A_326 = vector.broadcast %reduce_sum3A_325 : i1 to vector<16xi1>
      %reduce_sum3A_327 = tpu.scan <sum>, %mul3A_324 masked %reduce_sum3A_326 : vector<16xf32>, vector<16xi1> -> vector<16xf32>
      %reduce_sum3A_328 = vector.extract %reduce_sum3A_327[15] : f32 from vector<16xf32>
      %eq3A_329 = arith.constant 4 : i32
      %eq3A_330 = vector.broadcast %eq3A_329 : i32 to vector<16xi32>
      %eq3A_331 = arith.cmpi eq, %iota3A, %eq3A_330 : vector<16xi32>
      %broadcast_in_dim3A_332 = vector.broadcast %reduce_sum3A_328 : f32 to vector<16xf32>
      %select_n3A_333 = arith.select %eq3A_331, %broadcast_in_dim3A_332, %select_n3A_309 : vector<16xi1>, vector<16xf32>
      %mul3A_334 = arith.constant 16 : i32
      %mul3A_335 = arith.muli %scan3A_216, %mul3A_334 : i32
      %add3A_336 = arith.constant 5 : i32
      %add3A_337 = arith.addi %mul3A_335, %add3A_336 : i32
      %get3A_338 = arith.constant 0 : i32
      %get3A_339 = arith.index_cast %get3A_338 : i32 to index
      %get3A_340 = arith.index_cast %add3A_337 : i32 to index
      %get3A_341 = arith.constant 0 : index
      %get3A_342 = tpu.vector_load %arg9[%get3A_339, %get3A_340, %get3A_341] {strides = array<i32>} : memref<2x128x128xf32, #tpu.memory_space<vmem>>, vector<16xf32>,
      %get3A_343 = arith.constant 0 : i32
      %get3A_344 = arith.index_cast %get3A_343 : i32 to index
      %get3A_345 = arith.index_cast %add3A_337 : i32 to index
      %get3A_346 = arith.constant 0 : index
      %get3A_347 = tpu.vector_load %arg10[%get3A_344, %get3A_345, %get3A_346] {strides = array<i32>} : memref<2x128x128xf32, #tpu.memory_space<vmem>>, vector<16xf32>,
      %mul3A_348 = arith.mulf %get3A_342, %get3A_347 : vector<16xf32>
      %reduce_sum3A_349 = arith.constant true
      %reduce_sum3A_350 = vector.broadcast %reduce_sum3A_349 : i1 to vector<16xi1>
      %reduce_sum3A_351 = tpu.scan <sum>, %mul3A_348 masked %reduce_sum3A_350 : vector<16xf32>, vector<16xi1> -> vector<16xf32>
      %reduce_sum3A_352 = vector.extract %reduce_sum3A_351[15] : f32 from vector<16xf32>
      %eq3A_353 = arith.constant 5 : i32
      %eq3A_354 = vector.broadcast %eq3A_353 : i32 to vector<16xi32>
      %eq3A_355 = arith.cmpi eq, %iota3A, %eq3A_354 : vector<16xi32>
      %broadcast_in_dim3A_356 = vector.broadcast %reduce_sum3A_352 : f32 to vector<16xf32>
      %select_n3A_357 = arith.select %eq3A_355, %broadcast_in_dim3A_356, %select_n3A_333 : vector<16xi1>, vector<16xf32>
      %mul3A_358 = arith.constant 16 : i32
      %mul3A_359 = arith.muli %scan3A_216, %mul3A_358 : i32
      %add3A_360 = arith.constant 6 : i32
      %add3A_361 = arith.addi %mul3A_359, %add3A_360 : i32
      %get3A_362 = arith.constant 0 : i32
      %get3A_363 = arith.index_cast %get3A_362 : i32 to index
      %get3A_364 = arith.index_cast %add3A_361 : i32 to index
      %get3A_365 = arith.constant 0 : index
      %get3A_366 = tpu.vector_load %arg9[%get3A_363, %get3A_364, %get3A_365] {strides = array<i32>} : memref<2x128x128xf32, #tpu.memory_space<vmem>>, vector<16xf32>,
      %get3A_367 = arith.constant 0 : i32
      %get3A_368 = arith.index_cast %get3A_367 : i32 to index
      %get3A_369 = arith.index_cast %add3A_361 : i32 to index
      %get3A_370 = arith.constant 0 : index
      %get3A_371 = tpu.vector_load %arg10[%get3A_368, %get3A_369, %get3A_370] {strides = array<i32>} : memref<2x128x128xf32, #tpu.memory_space<vmem>>, vector<16xf32>,
      %mul3A_372 = arith.mulf %get3A_366, %get3A_371 : vector<16xf32>
      %reduce_sum3A_373 = arith.constant true
      %reduce_sum3A_374 = vector.broadcast %reduce_sum3A_373 : i1 to vector<16xi1>
      %reduce_sum3A_375 = tpu.scan <sum>, %mul3A_372 masked %reduce_sum3A_374 : vector<16xf32>, vector<16xi1> -> vector<16xf32>
      %reduce_sum3A_376 = vector.extract %reduce_sum3A_375[15] : f32 from vector<16xf32>
      %eq3A_377 = arith.constant 6 : i32
      %eq3A_378 = vector.broadcast %eq3A_377 : i32 to vector<16xi32>
      %eq3A_379 = arith.cmpi eq, %iota3A, %eq3A_378 : vector<16xi32>
      %broadcast_in_dim3A_380 = vector.broadcast %reduce_sum3A_376 : f32 to vector<16xf32>
      %select_n3A_381 = arith.select %eq3A_379, %broadcast_in_dim3A_380, %select_n3A_357 : vector<16xi1>, vector<16xf32>
      %mul3A_382 = arith.constant 16 : i32
      %mul3A_383 = arith.muli %scan3A_216, %mul3A_382 : i32
      %add3A_384 = arith.constant 7 : i32
      %add3A_385 = arith.addi %mul3A_383, %add3A_384 : i32
      %get3A_386 = arith.constant 0 : i32
      %get3A_387 = arith.index_cast %get3A_386 : i32 to index
      %get3A_388 = arith.index_cast %add3A_385 : i32 to index
      %get3A_389 = arith.constant 0 : index
      %get3A_390 = tpu.vector_load %arg9[%get3A_387, %get3A_388, %get3A_389] {strides = array<i32>} : memref<2x128x128xf32, #tpu.memory_space<vmem>>, vector<16xf32>,
      %get3A_391 = arith.constant 0 : i32
      %get3A_392 = arith.index_cast %get3A_391 : i32 to index
      %get3A_393 = arith.index_cast %add3A_385 : i32 to index
      %get3A_394 = arith.constant 0 : index
      %get3A_395 = tpu.vector_load %arg10[%get3A_392, %get3A_393, %get3A_394] {strides = array<i32>} : memref<2x128x128xf32, #tpu.memory_space<vmem>>, vector<16xf32>,
      %mul3A_396 = arith.mulf %get3A_390, %get3A_395 : vector<16xf32>
      %reduce_sum3A_397 = arith.constant true
      %reduce_sum3A_398 = vector.broadcast %reduce_sum3A_397 : i1 to vector<16xi1>
      %reduce_sum3A_399 = tpu.scan <sum>, %mul3A_396 masked %reduce_sum3A_398 : vector<16xf32>, vector<16xi1> -> vector<16xf32>
      %reduce_sum3A_400 = vector.extract %reduce_sum3A_399[15] : f32 from vector<16xf32>
      %eq3A_401 = arith.constant 7 : i32
      %eq3A_402 = vector.broadcast %eq3A_401 : i32 to vector<16xi32>
      %eq3A_403 = arith.cmpi eq, %iota3A, %eq3A_402 : vector<16xi32>
      %broadcast_in_dim3A_404 = vector.broadcast %reduce_sum3A_400 : f32 to vector<16xf32>
      %select_n3A_405 = arith.select %eq3A_403, %broadcast_in_dim3A_404, %select_n3A_381 : vector<16xi1>, vector<16xf32>
      %mul3A_406 = arith.constant 16 : i32
      %mul3A_407 = arith.muli %scan3A_216, %mul3A_406 : i32
      %add3A_408 = arith.constant 8 : i32
      %add3A_409 = arith.addi %mul3A_407, %add3A_408 : i32
      %get3A_410 = arith.constant 0 : i32
      %get3A_411 = arith.index_cast %get3A_410 : i32 to index
      %get3A_412 = arith.index_cast %add3A_409 : i32 to index
      %get3A_413 = arith.constant 0 : index
      %get3A_414 = tpu.vector_load %arg9[%get3A_411, %get3A_412, %get3A_413] {strides = array<i32>} : memref<2x128x128xf32, #tpu.memory_space<vmem>>, vector<16xf32>,
      %get3A_415 = arith.constant 0 : i32
      %get3A_416 = arith.index_cast %get3A_415 : i32 to index
      %get3A_417 = arith.index_cast %add3A_409 : i32 to index
      %get3A_418 = arith.constant 0 : index
      %get3A_419 = tpu.vector_load %arg10[%get3A_416, %get3A_417, %get3A_418] {strides = array<i32>} : memref<2x128x128xf32, #tpu.memory_space<vmem>>, vector<16xf32>,
      %mul3A_420 = arith.mulf %get3A_414, %get3A_419 : vector<16xf32>
      %reduce_sum3A_421 = arith.constant true
      %reduce_sum3A_422 = vector.broadcast %reduce_sum3A_421 : i1 to vector<16xi1>
      %reduce_sum3A_423 = tpu.scan <sum>, %mul3A_420 masked %reduce_sum3A_422 : vector<16xf32>, vector<16xi1> -> vector<16xf32>
      %reduce_sum3A_424 = vector.extract %reduce_sum3A_423[15] : f32 from vector<16xf32>
      %eq3A_425 = arith.constant 8 : i32
      %eq3A_426 = vector.broadcast %eq3A_425 : i32 to vector<16xi32>
      %eq3A_427 = arith.cmpi eq, %iota3A, %eq3A_426 : vector<16xi32>
      %broadcast_in_dim3A_428 = vector.broadcast %reduce_sum3A_424 : f32 to vector<16xf32>
      %select_n3A_429 = arith.select %eq3A_427, %broadcast_in_dim3A_428, %select_n3A_405 : vector<16xi1>, vector<16xf32>
      %mul3A_430 = arith.constant 16 : i32
      %mul3A_431 = arith.muli %scan3A_216, %mul3A_430 : i32
      %add3A_432 = arith.constant 9 : i32
      %add3A_433 = arith.addi %mul3A_431, %add3A_432 : i32
      %get3A_434 = arith.constant 0 : i32
      %get3A_435 = arith.index_cast %get3A_434 : i32 to index
      %get3A_436 = arith.index_cast %add3A_433 : i32 to index
      %get3A_437 = arith.constant 0 : index
      %get3A_438 = tpu.vector_load %arg9[%get3A_435, %get3A_436, %get3A_437] {strides = array<i32>} : memref<2x128x128xf32, #tpu.memory_space<vmem>>, vector<16xf32>,
      %get3A_439 = arith.constant 0 : i32
      %get3A_440 = arith.index_cast %get3A_439 : i32 to index
      %get3A_441 = arith.index_cast %add3A_433 : i32 to index
      %get3A_442 = arith.constant 0 : index
      %get3A_443 = tpu.vector_load %arg10[%get3A_440, %get3A_441, %get3A_442] {strides = array<i32>} : memref<2x128x128xf32, #tpu.memory_space<vmem>>, vector<16xf32>,
      %mul3A_444 = arith.mulf %get3A_438, %get3A_443 : vector<16xf32>
      %reduce_sum3A_445 = arith.constant true
      %reduce_sum3A_446 = vector.broadcast %reduce_sum3A_445 : i1 to vector<16xi1>
      %reduce_sum3A_447 = tpu.scan <sum>, %mul3A_444 masked %reduce_sum3A_446 : vector<16xf32>, vector<16xi1> -> vector<16xf32>
      %reduce_sum3A_448 = vector.extract %reduce_sum3A_447[15] : f32 from vector<16xf32>
      %eq3A_449 = arith.constant 9 : i32
      %eq3A_450 = vector.broadcast %eq3A_449 : i32 to vector<16xi32>
      %eq3A_451 = arith.cmpi eq, %iota3A, %eq3A_450 : vector<16xi32>
      %broadcast_in_dim3A_452 = vector.broadcast %reduce_sum3A_448 : f32 to vector<16xf32>
      %select_n3A_453 = arith.select %eq3A_451, %broadcast_in_dim3A_452, %select_n3A_429 : vector<16xi1>, vector<16xf32>
      %mul3A_454 = arith.constant 16 : i32
      %mul3A_455 = arith.muli %scan3A_216, %mul3A_454 : i32
      %add3A_456 = arith.constant 10 : i32
      %add3A_457 = arith.addi %mul3A_455, %add3A_456 : i32
      %get3A_458 = arith.constant 0 : i32
      %get3A_459 = arith.index_cast %get3A_458 : i32 to index
      %get3A_460 = arith.index_cast %add3A_457 : i32 to index
      %get3A_461 = arith.constant 0 : index
      %get3A_462 = tpu.vector_load %arg9[%get3A_459, %get3A_460, %get3A_461] {strides = array<i32>} : memref<2x128x128xf32, #tpu.memory_space<vmem>>, vector<16xf32>,
      %get3A_463 = arith.constant 0 : i32
      %get3A_464 = arith.index_cast %get3A_463 : i32 to index
      %get3A_465 = arith.index_cast %add3A_457 : i32 to index
      %get3A_466 = arith.constant 0 : index
      %get3A_467 = tpu.vector_load %arg10[%get3A_464, %get3A_465, %get3A_466] {strides = array<i32>} : memref<2x128x128xf32, #tpu.memory_space<vmem>>, vector<16xf32>,
      %mul3A_468 = arith.mulf %get3A_462, %get3A_467 : vector<16xf32>
      %reduce_sum3A_469 = arith.constant true
      %reduce_sum3A_470 = vector.broadcast %reduce_sum3A_469 : i1 to vector<16xi1>
      %reduce_sum3A_471 = tpu.scan <sum>, %mul3A_468 masked %reduce_sum3A_470 : vector<16xf32>, vector<16xi1> -> vector<16xf32>
      %reduce_sum3A_472 = vector.extract %reduce_sum3A_471[15] : f32 from vector<16xf32>
      %eq3A_473 = arith.constant 10 : i32
      %eq3A_474 = vector.broadcast %eq3A_473 : i32 to vector<16xi32>
      %eq3A_475 = arith.cmpi eq, %iota3A, %eq3A_474 : vector<16xi32>
      %broadcast_in_dim3A_476 = vector.broadcast %reduce_sum3A_472 : f32 to vector<16xf32>
      %select_n3A_477 = arith.select %eq3A_475, %broadcast_in_dim3A_476, %select_n3A_453 : vector<16xi1>, vector<16xf32>
      %mul3A_478 = arith.constant 16 : i32
      %mul3A_479 = arith.muli %scan3A_216, %mul3A_478 : i32
      %add3A_480 = arith.constant 11 : i32
      %add3A_481 = arith.addi %mul3A_479, %add3A_480 : i32
      %get3A_482 = arith.constant 0 : i32
      %get3A_483 = arith.index_cast %get3A_482 : i32 to index
      %get3A_484 = arith.index_cast %add3A_481 : i32 to index
      %get3A_485 = arith.constant 0 : index
      %get3A_486 = tpu.vector_load %arg9[%get3A_483, %get3A_484, %get3A_485] {strides = array<i32>} : memref<2x128x128xf32, #tpu.memory_space<vmem>>, vector<16xf32>,
      %get3A_487 = arith.constant 0 : i32
      %get3A_488 = arith.index_cast %get3A_487 : i32 to index
      %get3A_489 = arith.index_cast %add3A_481 : i32 to index
      %get3A_490 = arith.constant 0 : index
      %get3A_491 = tpu.vector_load %arg10[%get3A_488, %get3A_489, %get3A_490] {strides = array<i32>} : memref<2x128x128xf32, #tpu.memory_space<vmem>>, vector<16xf32>,
      %mul3A_492 = arith.mulf %get3A_486, %get3A_491 : vector<16xf32>
      %reduce_sum3A_493 = arith.constant true
      %reduce_sum3A_494 = vector.broadcast %reduce_sum3A_493 : i1 to vector<16xi1>
      %reduce_sum3A_495 = tpu.scan <sum>, %mul3A_492 masked %reduce_sum3A_494 : vector<16xf32>, vector<16xi1> -> vector<16xf32>
      %reduce_sum3A_496 = vector.extract %reduce_sum3A_495[15] : f32 from vector<16xf32>
      %eq3A_497 = arith.constant 11 : i32
      %eq3A_498 = vector.broadcast %eq3A_497 : i32 to vector<16xi32>
      %eq3A_499 = arith.cmpi eq, %iota3A, %eq3A_498 : vector<16xi32>
      %broadcast_in_dim3A_500 = vector.broadcast %reduce_sum3A_496 : f32 to vector<16xf32>
      %select_n3A_501 = arith.select %eq3A_499, %broadcast_in_dim3A_500, %select_n3A_477 : vector<16xi1>, vector<16xf32>
      %mul3A_502 = arith.constant 16 : i32
      %mul3A_503 = arith.muli %scan3A_216, %mul3A_502 : i32
      %add3A_504 = arith.constant 12 : i32
      %add3A_505 = arith.addi %mul3A_503, %add3A_504 : i32
      %get3A_506 = arith.constant 0 : i32
      %get3A_507 = arith.index_cast %get3A_506 : i32 to index
      %get3A_508 = arith.index_cast %add3A_505 : i32 to index
      %get3A_509 = arith.constant 0 : index
      %get3A_510 = tpu.vector_load %arg9[%get3A_507, %get3A_508, %get3A_509] {strides = array<i32>} : memref<2x128x128xf32, #tpu.memory_space<vmem>>, vector<16xf32>,
      %get3A_511 = arith.constant 0 : i32
      %get3A_512 = arith.index_cast %get3A_511 : i32 to index
      %get3A_513 = arith.index_cast %add3A_505 : i32 to index
      %get3A_514 = arith.constant 0 : index
      %get3A_515 = tpu.vector_load %arg10[%get3A_512, %get3A_513, %get3A_514] {strides = array<i32>} : memref<2x128x128xf32, #tpu.memory_space<vmem>>, vector<16xf32>,
      %mul3A_516 = arith.mulf %get3A_510, %get3A_515 : vector<16xf32>
      %reduce_sum3A_517 = arith.constant true
      %reduce_sum3A_518 = vector.broadcast %reduce_sum3A_517 : i1 to vector<16xi1>
      %reduce_sum3A_519 = tpu.scan <sum>, %mul3A_516 masked %reduce_sum3A_518 : vector<16xf32>, vector<16xi1> -> vector<16xf32>
      %reduce_sum3A_520 = vector.extract %reduce_sum3A_519[15] : f32 from vector<16xf32>
      %eq3A_521 = arith.constant 12 : i32
      %eq3A_522 = vector.broadcast %eq3A_521 : i32 to vector<16xi32>
      %eq3A_523 = arith.cmpi eq, %iota3A, %eq3A_522 : vector<16xi32>
      %broadcast_in_dim3A_524 = vector.broadcast %reduce_sum3A_520 : f32 to vector<16xf32>
      %select_n3A_525 = arith.select %eq3A_523, %broadcast_in_dim3A_524, %select_n3A_501 : vector<16xi1>, vector<16xf32>
      %mul3A_526 = arith.constant 16 : i32
      %mul3A_527 = arith.muli %scan3A_216, %mul3A_526 : i32
      %add3A_528 = arith.constant 13 : i32
      %add3A_529 = arith.addi %mul3A_527, %add3A_528 : i32
      %get3A_530 = arith.constant 0 : i32
      %get3A_531 = arith.index_cast %get3A_530 : i32 to index
      %get3A_532 = arith.index_cast %add3A_529 : i32 to index
      %get3A_533 = arith.constant 0 : index
      %get3A_534 = tpu.vector_load %arg9[%get3A_531, %get3A_532, %get3A_533] {strides = array<i32>} : memref<2x128x128xf32, #tpu.memory_space<vmem>>, vector<16xf32>,
      %get3A_535 = arith.constant 0 : i32
      %get3A_536 = arith.index_cast %get3A_535 : i32 to index
      %get3A_537 = arith.index_cast %add3A_529 : i32 to index
      %get3A_538 = arith.constant 0 : index
      %get3A_539 = tpu.vector_load %arg10[%get3A_536, %get3A_537, %get3A_538] {strides = array<i32>} : memref<2x128x128xf32, #tpu.memory_space<vmem>>, vector<16xf32>,
      %mul3A_540 = arith.mulf %get3A_534, %get3A_539 : vector<16xf32>
      %reduce_sum3A_541 = arith.constant true
      %reduce_sum3A_542 = vector.broadcast %reduce_sum3A_541 : i1 to vector<16xi1>
      %reduce_sum3A_543 = tpu.scan <sum>, %mul3A_540 masked %reduce_sum3A_542 : vector<16xf32>, vector<16xi1> -> vector<16xf32>
      %reduce_sum3A_544 = vector.extract %reduce_sum3A_543[15] : f32 from vector<16xf32>
      %eq3A_545 = arith.constant 13 : i32
      %eq3A_546 = vector.broadcast %eq3A_545 : i32 to vector<16xi32>
      %eq3A_547 = arith.cmpi eq, %iota3A, %eq3A_546 : vector<16xi32>
      %broadcast_in_dim3A_548 = vector.broadcast %reduce_sum3A_544 : f32 to vector<16xf32>
      %select_n3A_549 = arith.select %eq3A_547, %broadcast_in_dim3A_548, %select_n3A_525 : vector<16xi1>, vector<16xf32>
      %mul3A_550 = arith.constant 16 : i32
      %mul3A_551 = arith.muli %scan3A_216, %mul3A_550 : i32
      %add3A_552 = arith.constant 14 : i32
      %add3A_553 = arith.addi %mul3A_551, %add3A_552 : i32
      %get3A_554 = arith.constant 0 : i32
      %get3A_555 = arith.index_cast %get3A_554 : i32 to index
      %get3A_556 = arith.index_cast %add3A_553 : i32 to index
      %get3A_557 = arith.constant 0 : index
      %get3A_558 = tpu.vector_load %arg9[%get3A_555, %get3A_556, %get3A_557] {strides = array<i32>} : memref<2x128x128xf32, #tpu.memory_space<vmem>>, vector<16xf32>,
      %get3A_559 = arith.constant 0 : i32
      %get3A_560 = arith.index_cast %get3A_559 : i32 to index
      %get3A_561 = arith.index_cast %add3A_553 : i32 to index
      %get3A_562 = arith.constant 0 : index
      %get3A_563 = tpu.vector_load %arg10[%get3A_560, %get3A_561, %get3A_562] {strides = array<i32>} : memref<2x128x128xf32, #tpu.memory_space<vmem>>, vector<16xf32>,
      %mul3A_564 = arith.mulf %get3A_558, %get3A_563 : vector<16xf32>
      %reduce_sum3A_565 = arith.constant true
      %reduce_sum3A_566 = vector.broadcast %reduce_sum3A_565 : i1 to vector<16xi1>
      %reduce_sum3A_567 = tpu.scan <sum>, %mul3A_564 masked %reduce_sum3A_566 : vector<16xf32>, vector<16xi1> -> vector<16xf32>
      %reduce_sum3A_568 = vector.extract %reduce_sum3A_567[15] : f32 from vector<16xf32>
      %eq3A_569 = arith.constant 14 : i32
      %eq3A_570 = vector.broadcast %eq3A_569 : i32 to vector<16xi32>
      %eq3A_571 = arith.cmpi eq, %iota3A, %eq3A_570 : vector<16xi32>
      %broadcast_in_dim3A_572 = vector.broadcast %reduce_sum3A_568 : f32 to vector<16xf32>
      %select_n3A_573 = arith.select %eq3A_571, %broadcast_in_dim3A_572, %select_n3A_549 : vector<16xi1>, vector<16xf32>
      %mul3A_574 = arith.constant 16 : i32
      %mul3A_575 = arith.muli %scan3A_216, %mul3A_574 : i32
      %add3A_576 = arith.constant 15 : i32
      %add3A_577 = arith.addi %mul3A_575, %add3A_576 : i32
      %get3A_578 = arith.constant 0 : i32
      %get3A_579 = arith.index_cast %get3A_578 : i32 to index
      %get3A_580 = arith.index_cast %add3A_577 : i32 to index
      %get3A_581 = arith.constant 0 : index
      %get3A_582 = tpu.vector_load %arg9[%get3A_579, %get3A_580, %get3A_581] {strides = array<i32>} : memref<2x128x128xf32, #tpu.memory_space<vmem>>, vector<16xf32>,
      %get3A_583 = arith.constant 0 : i32
      %get3A_584 = arith.index_cast %get3A_583 : i32 to index
      %get3A_585 = arith.index_cast %add3A_577 : i32 to index
      %get3A_586 = arith.constant 0 : index
      %get3A_587 = tpu.vector_load %arg10[%get3A_584, %get3A_585, %get3A_586] {strides = array<i32>} : memref<2x128x128xf32, #tpu.memory_space<vmem>>, vector<16xf32>,
      %mul3A_588 = arith.mulf %get3A_582, %get3A_587 : vector<16xf32>
      %reduce_sum3A_589 = arith.constant true
      %reduce_sum3A_590 = vector.broadcast %reduce_sum3A_589 : i1 to vector<16xi1>
      %reduce_sum3A_591 = tpu.scan <sum>, %mul3A_588 masked %reduce_sum3A_590 : vector<16xf32>, vector<16xi1> -> vector<16xf32>
      %reduce_sum3A_592 = vector.extract %reduce_sum3A_591[15] : f32 from vector<16xf32>
      %eq3A_593 = arith.constant 15 : i32
      %eq3A_594 = vector.broadcast %eq3A_593 : i32 to vector<16xi32>
      %eq3A_595 = arith.cmpi eq, %iota3A, %eq3A_594 : vector<16xi32>
      %broadcast_in_dim3A_596 = vector.broadcast %reduce_sum3A_592 : f32 to vector<16xf32>
      %select_n3A_597 = arith.select %eq3A_595, %broadcast_in_dim3A_596, %select_n3A_573 : vector<16xi1>, vector<16xf32>
      %mul3A_598 = arith.constant 16 : i32
      %mul3A_599 = arith.muli %scan3A_216, %mul3A_598 : i32
      %add3A_600 = arith.constant 256 : i32
      %add3A_601 = arith.addi %add3A_600, %mul3A_599 : i32
      %add3A_602 = vector.broadcast %add3A_601 : i32 to vector<16xi32>
      %add3A_603 = arith.addi %add3A_602, %iota3A : vector<16xi32>
      tpu.vector_store_idx %arg11[%add3A_603], %select_n3A_597 : memref<512xf32, #tpu.memory_space<vmem>>[vector<16xi32>], vector<16xf32>,
    }
    %scan3A_185 = arith.constant 8 : i32
    %dma_wait3A_186 = arith.constant 3 : i32
    %dma_wait3A_187 = arith.constant 1 : i32
    %dma_wait3A_188 = arith.constant 0 : i32
    %dma_wait3A_189 = arith.constant 0 : i32
    %dma_wait3A_190 = tpu.memref_slice %arg9[%dma_wait3A_187, %dma_wait3A_188, %dma_wait3A_189] : memref<2x128x128xf32, #tpu.memory_space<vmem>> -> memref<1x128x128xf32, #tpu.memory_space<vmem>>
    %dma_wait3A_191 = tpu.memref_squeeze %dma_wait3A_190 : memref<1x128x128xf32, #tpu.memory_space<vmem>> -> memref<128x128xf32, #tpu.memory_space<vmem>>
    %dma_wait3A_192 = arith.constant 0 : i32
    %dma_wait3A_193 = tpu.memref_slice %arg7[%dma_wait3A_186, %dma_wait3A_192] : memref<4x128xi32, #tpu.memory_space<vmem>> -> memref<1x128xi32, #tpu.memory_space<vmem>>
    %dma_wait3A_194 = tpu.memref_squeeze %dma_wait3A_193 : memref<1x128xi32, #tpu.memory_space<vmem>> -> memref<128xi32, #tpu.memory_space<vmem>>
    %dma_wait3A_195 = arith.constant 0 : i32
    %dma_wait3A_196 = arith.constant 0 : i32
    %dma_wait3A_197 = tpu.memref_slice %arg4[%dma_wait3A_195, %dma_wait3A_196] : memref<1000000x128xf32, #tpu.memory_space<hbm>> -> memref<1000000x128xf32, #tpu.memory_space<hbm>>
    tpu.wait_indirect_dma semaphore(%arg12 : memref<!tpu.dma_semaphore, #tpu.memory_space<semaphore_mem>>) src(%dma_wait3A_197 : memref<1000000x128xf32, #tpu.memory_space<hbm>>) dst(%dma_wait3A_191 : memref<128x128xf32, #tpu.memory_space<vmem>>)
    %dma_wait3A_198 = arith.constant 3 : i32
    %dma_wait3A_199 = arith.constant 1 : i32
    %dma_wait3A_200 = arith.constant 0 : i32
    %dma_wait3A_201 = arith.constant 0 : i32
    %dma_wait3A_202 = tpu.memref_slice %arg10[%dma_wait3A_199, %dma_wait3A_200, %dma_wait3A_201] : memref<2x128x128xf32, #tpu.memory_space<vmem>> -> memref<1x128x128xf32, #tpu.memory_space<vmem>>
    %dma_wait3A_203 = tpu.memref_squeeze %dma_wait3A_202 : memref<1x128x128xf32, #tpu.memory_space<vmem>> -> memref<128x128xf32, #tpu.memory_space<vmem>>
    %dma_wait3A_204 = arith.constant 0 : i32
    %dma_wait3A_205 = tpu.memref_slice %arg8[%dma_wait3A_198, %dma_wait3A_204] : memref<4x128xi32, #tpu.memory_space<vmem>> -> memref<1x128xi32, #tpu.memory_space<vmem>>
    %dma_wait3A_206 = tpu.memref_squeeze %dma_wait3A_205 : memref<1x128xi32, #tpu.memory_space<vmem>> -> memref<128xi32, #tpu.memory_space<vmem>>
    %dma_wait3A_207 = arith.constant 0 : i32
    %dma_wait3A_208 = arith.constant 0 : i32
    %dma_wait3A_209 = tpu.memref_slice %arg5[%dma_wait3A_207, %dma_wait3A_208] : memref<1000000x128xf32, #tpu.memory_space<hbm>> -> memref<1000000x128xf32, #tpu.memory_space<hbm>>
    tpu.wait_indirect_dma semaphore(%arg13 : memref<!tpu.dma_semaphore, #tpu.memory_space<semaphore_mem>>) src(%dma_wait3A_209 : memref<1000000x128xf32, #tpu.memory_space<hbm>>) dst(%dma_wait3A_203 : memref<128x128xf32, #tpu.memory_space<vmem>>)
    %scan3A_210 = arith.constant 0 : i32
    %scan3A_211 = arith.constant 0 : i32
    %scan3A_212 = arith.constant 8 : i32
    %scan3A_213 = arith.addi %scan3A_211, %scan3A_212 : i32
    %scan3A_214 = arith.constant 1 : i32
    scf.for %scan3A_216 = %scan3A_211 to %scan3A_213 step %scan3A_214  : i32 {
      %broadcast_in_dim3A = arith.constant 0.000000e+00 : f32
      %broadcast_in_dim3A_217 = vector.broadcast %broadcast_in_dim3A : f32 to vector<16xf32>
      %mul3A_218 = arith.constant 16 : i32
      %mul3A_219 = arith.muli %scan3A_216, %mul3A_218 : i32
      %add3A_220 = arith.constant 0 : i32
      %add3A_221 = arith.addi %mul3A_219, %add3A_220 : i32
      %get3A = arith.constant 1 : i32
      %get3A_222 = arith.index_cast %get3A : i32 to index
      %get3A_223 = arith.index_cast %add3A_221 : i32 to index
      %get3A_224 = arith.constant 0 : index
      %get3A_225 = tpu.vector_load %arg9[%get3A_222, %get3A_223, %get3A_224] {strides = array<i32>} : memref<2x128x128xf32, #tpu.memory_space<vmem>>, vector<16xf32>,
      %get3A_226 = arith.constant 1 : i32
      %get3A_227 = arith.index_cast %get3A_226 : i32 to index
      %get3A_228 = arith.index_cast %add3A_221 : i32 to index
      %get3A_229 = arith.constant 0 : index
      %get3A_230 = tpu.vector_load %arg10[%get3A_227, %get3A_228, %get3A_229] {strides = array<i32>} : memref<2x128x128xf32, #tpu.memory_space<vmem>>, vector<16xf32>,
      %mul3A_231 = arith.mulf %get3A_225, %get3A_230 : vector<16xf32>
      %reduce_sum3A = arith.constant true
      %reduce_sum3A_232 = vector.broadcast %reduce_sum3A : i1 to vector<16xi1>
      %reduce_sum3A_233 = tpu.scan <sum>, %mul3A_231 masked %reduce_sum3A_232 : vector<16xf32>, vector<16xi1> -> vector<16xf32>
      %reduce_sum3A_234 = vector.extract %reduce_sum3A_233[15] : f32 from vector<16xf32>
      %eq3A = arith.constant 0 : i32
      %eq3A_235 = vector.broadcast %eq3A : i32 to vector<16xi32>
      %eq3A_236 = arith.cmpi eq, %iota3A, %eq3A_235 : vector<16xi32>
      %broadcast_in_dim3A_237 = vector.broadcast %reduce_sum3A_234 : f32 to vector<16xf32>
      %select_n3A = arith.select %eq3A_236, %broadcast_in_dim3A_237, %broadcast_in_dim3A_217 : vector<16xi1>, vector<16xf32>
      %mul3A_238 = arith.constant 16 : i32
      %mul3A_239 = arith.muli %scan3A_216, %mul3A_238 : i32
      %add3A_240 = arith.constant 1 : i32
      %add3A_241 = arith.addi %mul3A_239, %add3A_240 : i32
      %get3A_242 = arith.constant 1 : i32
      %get3A_243 = arith.index_cast %get3A_242 : i32 to index
      %get3A_244 = arith.index_cast %add3A_241 : i32 to index
      %get3A_245 = arith.constant 0 : index
      %get3A_246 = tpu.vector_load %arg9[%get3A_243, %get3A_244, %get3A_245] {strides = array<i32>} : memref<2x128x128xf32, #tpu.memory_space<vmem>>, vector<16xf32>,
      %get3A_247 = arith.constant 1 : i32
      %get3A_248 = arith.index_cast %get3A_247 : i32 to index
      %get3A_249 = arith.index_cast %add3A_241 : i32 to index
      %get3A_250 = arith.constant 0 : index
      %get3A_251 = tpu.vector_load %arg10[%get3A_248, %get3A_249, %get3A_250] {strides = array<i32>} : memref<2x128x128xf32, #tpu.memory_space<vmem>>, vector<16xf32>,
      %mul3A_252 = arith.mulf %get3A_246, %get3A_251 : vector<16xf32>
      %reduce_sum3A_253 = arith.constant true
      %reduce_sum3A_254 = vector.broadcast %reduce_sum3A_253 : i1 to vector<16xi1>
      %reduce_sum3A_255 = tpu.scan <sum>, %mul3A_252 masked %reduce_sum3A_254 : vector<16xf32>, vector<16xi1> -> vector<16xf32>
      %reduce_sum3A_256 = vector.extract %reduce_sum3A_255[15] : f32 from vector<16xf32>
      %eq3A_257 = arith.constant 1 : i32
      %eq3A_258 = vector.broadcast %eq3A_257 : i32 to vector<16xi32>
      %eq3A_259 = arith.cmpi eq, %iota3A, %eq3A_258 : vector<16xi32>
      %broadcast_in_dim3A_260 = vector.broadcast %reduce_sum3A_256 : f32 to vector<16xf32>
      %select_n3A_261 = arith.select %eq3A_259, %broadcast_in_dim3A_260, %select_n3A : vector<16xi1>, vector<16xf32>
      %mul3A_262 = arith.constant 16 : i32
      %mul3A_263 = arith.muli %scan3A_216, %mul3A_262 : i32
      %add3A_264 = arith.constant 2 : i32
      %add3A_265 = arith.addi %mul3A_263, %add3A_264 : i32
      %get3A_266 = arith.constant 1 : i32
      %get3A_267 = arith.index_cast %get3A_266 : i32 to index
      %get3A_268 = arith.index_cast %add3A_265 : i32 to index
      %get3A_269 = arith.constant 0 : index
      %get3A_270 = tpu.vector_load %arg9[%get3A_267, %get3A_268, %get3A_269] {strides = array<i32>} : memref<2x128x128xf32, #tpu.memory_space<vmem>>, vector<16xf32>,
      %get3A_271 = arith.constant 1 : i32
      %get3A_272 = arith.index_cast %get3A_271 : i32 to index
      %get3A_273 = arith.index_cast %add3A_265 : i32 to index
      %get3A_274 = arith.constant 0 : index
      %get3A_275 = tpu.vector_load %arg10[%get3A_272, %get3A_273, %get3A_274] {strides = array<i32>} : memref<2x128x128xf32, #tpu.memory_space<vmem>>, vector<16xf32>,
      %mul3A_276 = arith.mulf %get3A_270, %get3A_275 : vector<16xf32>
      %reduce_sum3A_277 = arith.constant true
      %reduce_sum3A_278 = vector.broadcast %reduce_sum3A_277 : i1 to vector<16xi1>
      %reduce_sum3A_279 = tpu.scan <sum>, %mul3A_276 masked %reduce_sum3A_278 : vector<16xf32>, vector<16xi1> -> vector<16xf32>
      %reduce_sum3A_280 = vector.extract %reduce_sum3A_279[15] : f32 from vector<16xf32>
      %eq3A_281 = arith.constant 2 : i32
      %eq3A_282 = vector.broadcast %eq3A_281 : i32 to vector<16xi32>
      %eq3A_283 = arith.cmpi eq, %iota3A, %eq3A_282 : vector<16xi32>
      %broadcast_in_dim3A_284 = vector.broadcast %reduce_sum3A_280 : f32 to vector<16xf32>
      %select_n3A_285 = arith.select %eq3A_283, %broadcast_in_dim3A_284, %select_n3A_261 : vector<16xi1>, vector<16xf32>
      %mul3A_286 = arith.constant 16 : i32
      %mul3A_287 = arith.muli %scan3A_216, %mul3A_286 : i32
      %add3A_288 = arith.constant 3 : i32
      %add3A_289 = arith.addi %mul3A_287, %add3A_288 : i32
      %get3A_290 = arith.constant 1 : i32
      %get3A_291 = arith.index_cast %get3A_290 : i32 to index
      %get3A_292 = arith.index_cast %add3A_289 : i32 to index
      %get3A_293 = arith.constant 0 : index
      %get3A_294 = tpu.vector_load %arg9[%get3A_291, %get3A_292, %get3A_293] {strides = array<i32>} : memref<2x128x128xf32, #tpu.memory_space<vmem>>, vector<16xf32>,
      %get3A_295 = arith.constant 1 : i32
      %get3A_296 = arith.index_cast %get3A_295 : i32 to index
      %get3A_297 = arith.index_cast %add3A_289 : i32 to index
      %get3A_298 = arith.constant 0 : index
      %get3A_299 = tpu.vector_load %arg10[%get3A_296, %get3A_297, %get3A_298] {strides = array<i32>} : memref<2x128x128xf32, #tpu.memory_space<vmem>>, vector<16xf32>,
      %mul3A_300 = arith.mulf %get3A_294, %get3A_299 : vector<16xf32>
      %reduce_sum3A_301 = arith.constant true
      %reduce_sum3A_302 = vector.broadcast %reduce_sum3A_301 : i1 to vector<16xi1>
      %reduce_sum3A_303 = tpu.scan <sum>, %mul3A_300 masked %reduce_sum3A_302 : vector<16xf32>, vector<16xi1> -> vector<16xf32>
      %reduce_sum3A_304 = vector.extract %reduce_sum3A_303[15] : f32 from vector<16xf32>
      %eq3A_305 = arith.constant 3 : i32
      %eq3A_306 = vector.broadcast %eq3A_305 : i32 to vector<16xi32>
      %eq3A_307 = arith.cmpi eq, %iota3A, %eq3A_306 : vector<16xi32>
      %broadcast_in_dim3A_308 = vector.broadcast %reduce_sum3A_304 : f32 to vector<16xf32>
      %select_n3A_309 = arith.select %eq3A_307, %broadcast_in_dim3A_308, %select_n3A_285 : vector<16xi1>, vector<16xf32>
      %mul3A_310 = arith.constant 16 : i32
      %mul3A_311 = arith.muli %scan3A_216, %mul3A_310 : i32
      %add3A_312 = arith.constant 4 : i32
      %add3A_313 = arith.addi %mul3A_311, %add3A_312 : i32
      %get3A_314 = arith.constant 1 : i32
      %get3A_315 = arith.index_cast %get3A_314 : i32 to index
      %get3A_316 = arith.index_cast %add3A_313 : i32 to index
      %get3A_317 = arith.constant 0 : index
      %get3A_318 = tpu.vector_load %arg9[%get3A_315, %get3A_316, %get3A_317] {strides = array<i32>} : memref<2x128x128xf32, #tpu.memory_space<vmem>>, vector<16xf32>,
      %get3A_319 = arith.constant 1 : i32
      %get3A_320 = arith.index_cast %get3A_319 : i32 to index
      %get3A_321 = arith.index_cast %add3A_313 : i32 to index
      %get3A_322 = arith.constant 0 : index
      %get3A_323 = tpu.vector_load %arg10[%get3A_320, %get3A_321, %get3A_322] {strides = array<i32>} : memref<2x128x128xf32, #tpu.memory_space<vmem>>, vector<16xf32>,
      %mul3A_324 = arith.mulf %get3A_318, %get3A_323 : vector<16xf32>
      %reduce_sum3A_325 = arith.constant true
      %reduce_sum3A_326 = vector.broadcast %reduce_sum3A_325 : i1 to vector<16xi1>
      %reduce_sum3A_327 = tpu.scan <sum>, %mul3A_324 masked %reduce_sum3A_326 : vector<16xf32>, vector<16xi1> -> vector<16xf32>
      %reduce_sum3A_328 = vector.extract %reduce_sum3A_327[15] : f32 from vector<16xf32>
      %eq3A_329 = arith.constant 4 : i32
      %eq3A_330 = vector.broadcast %eq3A_329 : i32 to vector<16xi32>
      %eq3A_331 = arith.cmpi eq, %iota3A, %eq3A_330 : vector<16xi32>
      %broadcast_in_dim3A_332 = vector.broadcast %reduce_sum3A_328 : f32 to vector<16xf32>
      %select_n3A_333 = arith.select %eq3A_331, %broadcast_in_dim3A_332, %select_n3A_309 : vector<16xi1>, vector<16xf32>
      %mul3A_334 = arith.constant 16 : i32
      %mul3A_335 = arith.muli %scan3A_216, %mul3A_334 : i32
      %add3A_336 = arith.constant 5 : i32
      %add3A_337 = arith.addi %mul3A_335, %add3A_336 : i32
      %get3A_338 = arith.constant 1 : i32
      %get3A_339 = arith.index_cast %get3A_338 : i32 to index
      %get3A_340 = arith.index_cast %add3A_337 : i32 to index
      %get3A_341 = arith.constant 0 : index
      %get3A_342 = tpu.vector_load %arg9[%get3A_339, %get3A_340, %get3A_341] {strides = array<i32>} : memref<2x128x128xf32, #tpu.memory_space<vmem>>, vector<16xf32>,
      %get3A_343 = arith.constant 1 : i32
      %get3A_344 = arith.index_cast %get3A_343 : i32 to index
      %get3A_345 = arith.index_cast %add3A_337 : i32 to index
      %get3A_346 = arith.constant 0 : index
      %get3A_347 = tpu.vector_load %arg10[%get3A_344, %get3A_345, %get3A_346] {strides = array<i32>} : memref<2x128x128xf32, #tpu.memory_space<vmem>>, vector<16xf32>,
      %mul3A_348 = arith.mulf %get3A_342, %get3A_347 : vector<16xf32>
      %reduce_sum3A_349 = arith.constant true
      %reduce_sum3A_350 = vector.broadcast %reduce_sum3A_349 : i1 to vector<16xi1>
      %reduce_sum3A_351 = tpu.scan <sum>, %mul3A_348 masked %reduce_sum3A_350 : vector<16xf32>, vector<16xi1> -> vector<16xf32>
      %reduce_sum3A_352 = vector.extract %reduce_sum3A_351[15] : f32 from vector<16xf32>
      %eq3A_353 = arith.constant 5 : i32
      %eq3A_354 = vector.broadcast %eq3A_353 : i32 to vector<16xi32>
      %eq3A_355 = arith.cmpi eq, %iota3A, %eq3A_354 : vector<16xi32>
      %broadcast_in_dim3A_356 = vector.broadcast %reduce_sum3A_352 : f32 to vector<16xf32>
      %select_n3A_357 = arith.select %eq3A_355, %broadcast_in_dim3A_356, %select_n3A_333 : vector<16xi1>, vector<16xf32>
      %mul3A_358 = arith.constant 16 : i32
      %mul3A_359 = arith.muli %scan3A_216, %mul3A_358 : i32
      %add3A_360 = arith.constant 6 : i32
      %add3A_361 = arith.addi %mul3A_359, %add3A_360 : i32
      %get3A_362 = arith.constant 1 : i32
      %get3A_363 = arith.index_cast %get3A_362 : i32 to index
      %get3A_364 = arith.index_cast %add3A_361 : i32 to index
      %get3A_365 = arith.constant 0 : index
      %get3A_366 = tpu.vector_load %arg9[%get3A_363, %get3A_364, %get3A_365] {strides = array<i32>} : memref<2x128x128xf32, #tpu.memory_space<vmem>>, vector<16xf32>,
      %get3A_367 = arith.constant 1 : i32
      %get3A_368 = arith.index_cast %get3A_367 : i32 to index
      %get3A_369 = arith.index_cast %add3A_361 : i32 to index
      %get3A_370 = arith.constant 0 : index
      %get3A_371 = tpu.vector_load %arg10[%get3A_368, %get3A_369, %get3A_370] {strides = array<i32>} : memref<2x128x128xf32, #tpu.memory_space<vmem>>, vector<16xf32>,
      %mul3A_372 = arith.mulf %get3A_366, %get3A_371 : vector<16xf32>
      %reduce_sum3A_373 = arith.constant true
      %reduce_sum3A_374 = vector.broadcast %reduce_sum3A_373 : i1 to vector<16xi1>
      %reduce_sum3A_375 = tpu.scan <sum>, %mul3A_372 masked %reduce_sum3A_374 : vector<16xf32>, vector<16xi1> -> vector<16xf32>
      %reduce_sum3A_376 = vector.extract %reduce_sum3A_375[15] : f32 from vector<16xf32>
      %eq3A_377 = arith.constant 6 : i32
      %eq3A_378 = vector.broadcast %eq3A_377 : i32 to vector<16xi32>
      %eq3A_379 = arith.cmpi eq, %iota3A, %eq3A_378 : vector<16xi32>
      %broadcast_in_dim3A_380 = vector.broadcast %reduce_sum3A_376 : f32 to vector<16xf32>
      %select_n3A_381 = arith.select %eq3A_379, %broadcast_in_dim3A_380, %select_n3A_357 : vector<16xi1>, vector<16xf32>
      %mul3A_382 = arith.constant 16 : i32
      %mul3A_383 = arith.muli %scan3A_216, %mul3A_382 : i32
      %add3A_384 = arith.constant 7 : i32
      %add3A_385 = arith.addi %mul3A_383, %add3A_384 : i32
      %get3A_386 = arith.constant 1 : i32
      %get3A_387 = arith.index_cast %get3A_386 : i32 to index
      %get3A_388 = arith.index_cast %add3A_385 : i32 to index
      %get3A_389 = arith.constant 0 : index
      %get3A_390 = tpu.vector_load %arg9[%get3A_387, %get3A_388, %get3A_389] {strides = array<i32>} : memref<2x128x128xf32, #tpu.memory_space<vmem>>, vector<16xf32>,
      %get3A_391 = arith.constant 1 : i32
      %get3A_392 = arith.index_cast %get3A_391 : i32 to index
      %get3A_393 = arith.index_cast %add3A_385 : i32 to index
      %get3A_394 = arith.constant 0 : index
      %get3A_395 = tpu.vector_load %arg10[%get3A_392, %get3A_393, %get3A_394] {strides = array<i32>} : memref<2x128x128xf32, #tpu.memory_space<vmem>>, vector<16xf32>,
      %mul3A_396 = arith.mulf %get3A_390, %get3A_395 : vector<16xf32>
      %reduce_sum3A_397 = arith.constant true
      %reduce_sum3A_398 = vector.broadcast %reduce_sum3A_397 : i1 to vector<16xi1>
      %reduce_sum3A_399 = tpu.scan <sum>, %mul3A_396 masked %reduce_sum3A_398 : vector<16xf32>, vector<16xi1> -> vector<16xf32>
      %reduce_sum3A_400 = vector.extract %reduce_sum3A_399[15] : f32 from vector<16xf32>
      %eq3A_401 = arith.constant 7 : i32
      %eq3A_402 = vector.broadcast %eq3A_401 : i32 to vector<16xi32>
      %eq3A_403 = arith.cmpi eq, %iota3A, %eq3A_402 : vector<16xi32>
      %broadcast_in_dim3A_404 = vector.broadcast %reduce_sum3A_400 : f32 to vector<16xf32>
      %select_n3A_405 = arith.select %eq3A_403, %broadcast_in_dim3A_404, %select_n3A_381 : vector<16xi1>, vector<16xf32>
      %mul3A_406 = arith.constant 16 : i32
      %mul3A_407 = arith.muli %scan3A_216, %mul3A_406 : i32
      %add3A_408 = arith.constant 8 : i32
      %add3A_409 = arith.addi %mul3A_407, %add3A_408 : i32
      %get3A_410 = arith.constant 1 : i32
      %get3A_411 = arith.index_cast %get3A_410 : i32 to index
      %get3A_412 = arith.index_cast %add3A_409 : i32 to index
      %get3A_413 = arith.constant 0 : index
      %get3A_414 = tpu.vector_load %arg9[%get3A_411, %get3A_412, %get3A_413] {strides = array<i32>} : memref<2x128x128xf32, #tpu.memory_space<vmem>>, vector<16xf32>,
      %get3A_415 = arith.constant 1 : i32
      %get3A_416 = arith.index_cast %get3A_415 : i32 to index
      %get3A_417 = arith.index_cast %add3A_409 : i32 to index
      %get3A_418 = arith.constant 0 : index
      %get3A_419 = tpu.vector_load %arg10[%get3A_416, %get3A_417, %get3A_418] {strides = array<i32>} : memref<2x128x128xf32, #tpu.memory_space<vmem>>, vector<16xf32>,
      %mul3A_420 = arith.mulf %get3A_414, %get3A_419 : vector<16xf32>
      %reduce_sum3A_421 = arith.constant true
      %reduce_sum3A_422 = vector.broadcast %reduce_sum3A_421 : i1 to vector<16xi1>
      %reduce_sum3A_423 = tpu.scan <sum>, %mul3A_420 masked %reduce_sum3A_422 : vector<16xf32>, vector<16xi1> -> vector<16xf32>
      %reduce_sum3A_424 = vector.extract %reduce_sum3A_423[15] : f32 from vector<16xf32>
      %eq3A_425 = arith.constant 8 : i32
      %eq3A_426 = vector.broadcast %eq3A_425 : i32 to vector<16xi32>
      %eq3A_427 = arith.cmpi eq, %iota3A, %eq3A_426 : vector<16xi32>
      %broadcast_in_dim3A_428 = vector.broadcast %reduce_sum3A_424 : f32 to vector<16xf32>
      %select_n3A_429 = arith.select %eq3A_427, %broadcast_in_dim3A_428, %select_n3A_405 : vector<16xi1>, vector<16xf32>
      %mul3A_430 = arith.constant 16 : i32
      %mul3A_431 = arith.muli %scan3A_216, %mul3A_430 : i32
      %add3A_432 = arith.constant 9 : i32
      %add3A_433 = arith.addi %mul3A_431, %add3A_432 : i32
      %get3A_434 = arith.constant 1 : i32
      %get3A_435 = arith.index_cast %get3A_434 : i32 to index
      %get3A_436 = arith.index_cast %add3A_433 : i32 to index
      %get3A_437 = arith.constant 0 : index
      %get3A_438 = tpu.vector_load %arg9[%get3A_435, %get3A_436, %get3A_437] {strides = array<i32>} : memref<2x128x128xf32, #tpu.memory_space<vmem>>, vector<16xf32>,
      %get3A_439 = arith.constant 1 : i32
      %get3A_440 = arith.index_cast %get3A_439 : i32 to index
      %get3A_441 = arith.index_cast %add3A_433 : i32 to index
      %get3A_442 = arith.constant 0 : index
      %get3A_443 = tpu.vector_load %arg10[%get3A_440, %get3A_441, %get3A_442] {strides = array<i32>} : memref<2x128x128xf32, #tpu.memory_space<vmem>>, vector<16xf32>,
      %mul3A_444 = arith.mulf %get3A_438, %get3A_443 : vector<16xf32>
      %reduce_sum3A_445 = arith.constant true
      %reduce_sum3A_446 = vector.broadcast %reduce_sum3A_445 : i1 to vector<16xi1>
      %reduce_sum3A_447 = tpu.scan <sum>, %mul3A_444 masked %reduce_sum3A_446 : vector<16xf32>, vector<16xi1> -> vector<16xf32>
      %reduce_sum3A_448 = vector.extract %reduce_sum3A_447[15] : f32 from vector<16xf32>
      %eq3A_449 = arith.constant 9 : i32
      %eq3A_450 = vector.broadcast %eq3A_449 : i32 to vector<16xi32>
      %eq3A_451 = arith.cmpi eq, %iota3A, %eq3A_450 : vector<16xi32>
      %broadcast_in_dim3A_452 = vector.broadcast %reduce_sum3A_448 : f32 to vector<16xf32>
      %select_n3A_453 = arith.select %eq3A_451, %broadcast_in_dim3A_452, %select_n3A_429 : vector<16xi1>, vector<16xf32>
      %mul3A_454 = arith.constant 16 : i32
      %mul3A_455 = arith.muli %scan3A_216, %mul3A_454 : i32
      %add3A_456 = arith.constant 10 : i32
      %add3A_457 = arith.addi %mul3A_455, %add3A_456 : i32
      %get3A_458 = arith.constant 1 : i32
      %get3A_459 = arith.index_cast %get3A_458 : i32 to index
      %get3A_460 = arith.index_cast %add3A_457 : i32 to index
      %get3A_461 = arith.constant 0 : index
      %get3A_462 = tpu.vector_load %arg9[%get3A_459, %get3A_460, %get3A_461] {strides = array<i32>} : memref<2x128x128xf32, #tpu.memory_space<vmem>>, vector<16xf32>,
      %get3A_463 = arith.constant 1 : i32
      %get3A_464 = arith.index_cast %get3A_463 : i32 to index
      %get3A_465 = arith.index_cast %add3A_457 : i32 to index
      %get3A_466 = arith.constant 0 : index
      %get3A_467 = tpu.vector_load %arg10[%get3A_464, %get3A_465, %get3A_466] {strides = array<i32>} : memref<2x128x128xf32, #tpu.memory_space<vmem>>, vector<16xf32>,
      %mul3A_468 = arith.mulf %get3A_462, %get3A_467 : vector<16xf32>
      %reduce_sum3A_469 = arith.constant true
      %reduce_sum3A_470 = vector.broadcast %reduce_sum3A_469 : i1 to vector<16xi1>
      %reduce_sum3A_471 = tpu.scan <sum>, %mul3A_468 masked %reduce_sum3A_470 : vector<16xf32>, vector<16xi1> -> vector<16xf32>
      %reduce_sum3A_472 = vector.extract %reduce_sum3A_471[15] : f32 from vector<16xf32>
      %eq3A_473 = arith.constant 10 : i32
      %eq3A_474 = vector.broadcast %eq3A_473 : i32 to vector<16xi32>
      %eq3A_475 = arith.cmpi eq, %iota3A, %eq3A_474 : vector<16xi32>
      %broadcast_in_dim3A_476 = vector.broadcast %reduce_sum3A_472 : f32 to vector<16xf32>
      %select_n3A_477 = arith.select %eq3A_475, %broadcast_in_dim3A_476, %select_n3A_453 : vector<16xi1>, vector<16xf32>
      %mul3A_478 = arith.constant 16 : i32
      %mul3A_479 = arith.muli %scan3A_216, %mul3A_478 : i32
      %add3A_480 = arith.constant 11 : i32
      %add3A_481 = arith.addi %mul3A_479, %add3A_480 : i32
      %get3A_482 = arith.constant 1 : i32
      %get3A_483 = arith.index_cast %get3A_482 : i32 to index
      %get3A_484 = arith.index_cast %add3A_481 : i32 to index
      %get3A_485 = arith.constant 0 : index
      %get3A_486 = tpu.vector_load %arg9[%get3A_483, %get3A_484, %get3A_485] {strides = array<i32>} : memref<2x128x128xf32, #tpu.memory_space<vmem>>, vector<16xf32>,
      %get3A_487 = arith.constant 1 : i32
      %get3A_488 = arith.index_cast %get3A_487 : i32 to index
      %get3A_489 = arith.index_cast %add3A_481 : i32 to index
      %get3A_490 = arith.constant 0 : index
      %get3A_491 = tpu.vector_load %arg10[%get3A_488, %get3A_489, %get3A_490] {strides = array<i32>} : memref<2x128x128xf32, #tpu.memory_space<vmem>>, vector<16xf32>,
      %mul3A_492 = arith.mulf %get3A_486, %get3A_491 : vector<16xf32>
      %reduce_sum3A_493 = arith.constant true
      %reduce_sum3A_494 = vector.broadcast %reduce_sum3A_493 : i1 to vector<16xi1>
      %reduce_sum3A_495 = tpu.scan <sum>, %mul3A_492 masked %reduce_sum3A_494 : vector<16xf32>, vector<16xi1> -> vector<16xf32>
      %reduce_sum3A_496 = vector.extract %reduce_sum3A_495[15] : f32 from vector<16xf32>
      %eq3A_497 = arith.constant 11 : i32
      %eq3A_498 = vector.broadcast %eq3A_497 : i32 to vector<16xi32>
      %eq3A_499 = arith.cmpi eq, %iota3A, %eq3A_498 : vector<16xi32>
      %broadcast_in_dim3A_500 = vector.broadcast %reduce_sum3A_496 : f32 to vector<16xf32>
      %select_n3A_501 = arith.select %eq3A_499, %broadcast_in_dim3A_500, %select_n3A_477 : vector<16xi1>, vector<16xf32>
      %mul3A_502 = arith.constant 16 : i32
      %mul3A_503 = arith.muli %scan3A_216, %mul3A_502 : i32
      %add3A_504 = arith.constant 12 : i32
      %add3A_505 = arith.addi %mul3A_503, %add3A_504 : i32
      %get3A_506 = arith.constant 1 : i32
      %get3A_507 = arith.index_cast %get3A_506 : i32 to index
      %get3A_508 = arith.index_cast %add3A_505 : i32 to index
      %get3A_509 = arith.constant 0 : index
      %get3A_510 = tpu.vector_load %arg9[%get3A_507, %get3A_508, %get3A_509] {strides = array<i32>} : memref<2x128x128xf32, #tpu.memory_space<vmem>>, vector<16xf32>,
      %get3A_511 = arith.constant 1 : i32
      %get3A_512 = arith.index_cast %get3A_511 : i32 to index
      %get3A_513 = arith.index_cast %add3A_505 : i32 to index
      %get3A_514 = arith.constant 0 : index
      %get3A_515 = tpu.vector_load %arg10[%get3A_512, %get3A_513, %get3A_514] {strides = array<i32>} : memref<2x128x128xf32, #tpu.memory_space<vmem>>, vector<16xf32>,
      %mul3A_516 = arith.mulf %get3A_510, %get3A_515 : vector<16xf32>
      %reduce_sum3A_517 = arith.constant true
      %reduce_sum3A_518 = vector.broadcast %reduce_sum3A_517 : i1 to vector<16xi1>
      %reduce_sum3A_519 = tpu.scan <sum>, %mul3A_516 masked %reduce_sum3A_518 : vector<16xf32>, vector<16xi1> -> vector<16xf32>
      %reduce_sum3A_520 = vector.extract %reduce_sum3A_519[15] : f32 from vector<16xf32>
      %eq3A_521 = arith.constant 12 : i32
      %eq3A_522 = vector.broadcast %eq3A_521 : i32 to vector<16xi32>
      %eq3A_523 = arith.cmpi eq, %iota3A, %eq3A_522 : vector<16xi32>
      %broadcast_in_dim3A_524 = vector.broadcast %reduce_sum3A_520 : f32 to vector<16xf32>
      %select_n3A_525 = arith.select %eq3A_523, %broadcast_in_dim3A_524, %select_n3A_501 : vector<16xi1>, vector<16xf32>
      %mul3A_526 = arith.constant 16 : i32
      %mul3A_527 = arith.muli %scan3A_216, %mul3A_526 : i32
      %add3A_528 = arith.constant 13 : i32
      %add3A_529 = arith.addi %mul3A_527, %add3A_528 : i32
      %get3A_530 = arith.constant 1 : i32
      %get3A_531 = arith.index_cast %get3A_530 : i32 to index
      %get3A_532 = arith.index_cast %add3A_529 : i32 to index
      %get3A_533 = arith.constant 0 : index
      %get3A_534 = tpu.vector_load %arg9[%get3A_531, %get3A_532, %get3A_533] {strides = array<i32>} : memref<2x128x128xf32, #tpu.memory_space<vmem>>, vector<16xf32>,
      %get3A_535 = arith.constant 1 : i32
      %get3A_536 = arith.index_cast %get3A_535 : i32 to index
      %get3A_537 = arith.index_cast %add3A_529 : i32 to index
      %get3A_538 = arith.constant 0 : index
      %get3A_539 = tpu.vector_load %arg10[%get3A_536, %get3A_537, %get3A_538] {strides = array<i32>} : memref<2x128x128xf32, #tpu.memory_space<vmem>>, vector<16xf32>,
      %mul3A_540 = arith.mulf %get3A_534, %get3A_539 : vector<16xf32>
      %reduce_sum3A_541 = arith.constant true
      %reduce_sum3A_542 = vector.broadcast %reduce_sum3A_541 : i1 to vector<16xi1>
      %reduce_sum3A_543 = tpu.scan <sum>, %mul3A_540 masked %reduce_sum3A_542 : vector<16xf32>, vector<16xi1> -> vector<16xf32>
      %reduce_sum3A_544 = vector.extract %reduce_sum3A_543[15] : f32 from vector<16xf32>
      %eq3A_545 = arith.constant 13 : i32
      %eq3A_546 = vector.broadcast %eq3A_545 : i32 to vector<16xi32>
      %eq3A_547 = arith.cmpi eq, %iota3A, %eq3A_546 : vector<16xi32>
      %broadcast_in_dim3A_548 = vector.broadcast %reduce_sum3A_544 : f32 to vector<16xf32>
      %select_n3A_549 = arith.select %eq3A_547, %broadcast_in_dim3A_548, %select_n3A_525 : vector<16xi1>, vector<16xf32>
      %mul3A_550 = arith.constant 16 : i32
      %mul3A_551 = arith.muli %scan3A_216, %mul3A_550 : i32
      %add3A_552 = arith.constant 14 : i32
      %add3A_553 = arith.addi %mul3A_551, %add3A_552 : i32
      %get3A_554 = arith.constant 1 : i32
      %get3A_555 = arith.index_cast %get3A_554 : i32 to index
      %get3A_556 = arith.index_cast %add3A_553 : i32 to index
      %get3A_557 = arith.constant 0 : index
      %get3A_558 = tpu.vector_load %arg9[%get3A_555, %get3A_556, %get3A_557] {strides = array<i32>} : memref<2x128x128xf32, #tpu.memory_space<vmem>>, vector<16xf32>,
      %get3A_559 = arith.constant 1 : i32
      %get3A_560 = arith.index_cast %get3A_559 : i32 to index
      %get3A_561 = arith.index_cast %add3A_553 : i32 to index
      %get3A_562 = arith.constant 0 : index
      %get3A_563 = tpu.vector_load %arg10[%get3A_560, %get3A_561, %get3A_562] {strides = array<i32>} : memref<2x128x128xf32, #tpu.memory_space<vmem>>, vector<16xf32>,
      %mul3A_564 = arith.mulf %get3A_558, %get3A_563 : vector<16xf32>
      %reduce_sum3A_565 = arith.constant true
      %reduce_sum3A_566 = vector.broadcast %reduce_sum3A_565 : i1 to vector<16xi1>
      %reduce_sum3A_567 = tpu.scan <sum>, %mul3A_564 masked %reduce_sum3A_566 : vector<16xf32>, vector<16xi1> -> vector<16xf32>
      %reduce_sum3A_568 = vector.extract %reduce_sum3A_567[15] : f32 from vector<16xf32>
      %eq3A_569 = arith.constant 14 : i32
      %eq3A_570 = vector.broadcast %eq3A_569 : i32 to vector<16xi32>
      %eq3A_571 = arith.cmpi eq, %iota3A, %eq3A_570 : vector<16xi32>
      %broadcast_in_dim3A_572 = vector.broadcast %reduce_sum3A_568 : f32 to vector<16xf32>
      %select_n3A_573 = arith.select %eq3A_571, %broadcast_in_dim3A_572, %select_n3A_549 : vector<16xi1>, vector<16xf32>
      %mul3A_574 = arith.constant 16 : i32
      %mul3A_575 = arith.muli %scan3A_216, %mul3A_574 : i32
      %add3A_576 = arith.constant 15 : i32
      %add3A_577 = arith.addi %mul3A_575, %add3A_576 : i32
      %get3A_578 = arith.constant 1 : i32
      %get3A_579 = arith.index_cast %get3A_578 : i32 to index
      %get3A_580 = arith.index_cast %add3A_577 : i32 to index
      %get3A_581 = arith.constant 0 : index
      %get3A_582 = tpu.vector_load %arg9[%get3A_579, %get3A_580, %get3A_581] {strides = array<i32>} : memref<2x128x128xf32, #tpu.memory_space<vmem>>, vector<16xf32>,
      %get3A_583 = arith.constant 1 : i32
      %get3A_584 = arith.index_cast %get3A_583 : i32 to index
      %get3A_585 = arith.index_cast %add3A_577 : i32 to index
      %get3A_586 = arith.constant 0 : index
      %get3A_587 = tpu.vector_load %arg10[%get3A_584, %get3A_585, %get3A_586] {strides = array<i32>} : memref<2x128x128xf32, #tpu.memory_space<vmem>>, vector<16xf32>,
      %mul3A_588 = arith.mulf %get3A_582, %get3A_587 : vector<16xf32>
      %reduce_sum3A_589 = arith.constant true
      %reduce_sum3A_590 = vector.broadcast %reduce_sum3A_589 : i1 to vector<16xi1>
      %reduce_sum3A_591 = tpu.scan <sum>, %mul3A_588 masked %reduce_sum3A_590 : vector<16xf32>, vector<16xi1> -> vector<16xf32>
      %reduce_sum3A_592 = vector.extract %reduce_sum3A_591[15] : f32 from vector<16xf32>
      %eq3A_593 = arith.constant 15 : i32
      %eq3A_594 = vector.broadcast %eq3A_593 : i32 to vector<16xi32>
      %eq3A_595 = arith.cmpi eq, %iota3A, %eq3A_594 : vector<16xi32>
      %broadcast_in_dim3A_596 = vector.broadcast %reduce_sum3A_592 : f32 to vector<16xf32>
      %select_n3A_597 = arith.select %eq3A_595, %broadcast_in_dim3A_596, %select_n3A_573 : vector<16xi1>, vector<16xf32>
      %mul3A_598 = arith.constant 16 : i32
      %mul3A_599 = arith.muli %scan3A_216, %mul3A_598 : i32
      %add3A_600 = arith.constant 384 : i32
      %add3A_601 = arith.addi %add3A_600, %mul3A_599 : i32
      %add3A_602 = vector.broadcast %add3A_601 : i32 to vector<16xi32>
      %add3A_603 = arith.addi %add3A_602, %iota3A : vector<16xi32>
      tpu.vector_store_idx %arg11[%add3A_603], %select_n3A_597 : memref<512xf32, #tpu.memory_space<vmem>>[vector<16xi32>], vector<16xf32>,
    }
    %scan3A_215 = arith.constant 8 : i32
    "tpu.region"() ({
      %run_scoped3A = tpu.sem_alloc : memref<!tpu.dma_semaphore, #tpu.memory_space<semaphore_mem>>
      %dma_start3A_216 = tpu.memref_slice %arg6[%mul3A_2] : memref<16384xf32, #tpu.memory_space<hbm>> -> memref<512xf32, #tpu.memory_space<hbm>>
      %dma_start3A_217 = tpu.memref_slice %arg6[%mul3A_2] : memref<16384xf32, #tpu.memory_space<hbm>> -> memref<512xf32, #tpu.memory_space<hbm>>
      tpu.enqueue_dma source(%arg11 : memref<512xf32, #tpu.memory_space<vmem>>) target(%dma_start3A_217 : memref<512xf32, #tpu.memory_space<hbm>>) target_semaphore(%run_scoped3A : memref<!tpu.dma_semaphore, #tpu.memory_space<semaphore_mem>>)
      %dma_wait3A_218 = tpu.memref_slice %arg6[%mul3A_2] : memref<16384xf32, #tpu.memory_space<hbm>> -> memref<512xf32, #tpu.memory_space<hbm>>
      %dma_wait3A_219 = tpu.memref_slice %arg6[%mul3A_2] : memref<16384xf32, #tpu.memory_space<hbm>> -> memref<512xf32, #tpu.memory_space<hbm>>
      tpu.wait_dma2 semaphore(%run_scoped3A : memref<!tpu.dma_semaphore, #tpu.memory_space<semaphore_mem>>) src(%arg11 : memref<512xf32, #tpu.memory_space<vmem>>) dst(%dma_wait3A_219 : memref<512xf32, #tpu.memory_space<hbm>>)
      tpu.yield
    }) : () -> ()
    return
  }
}

</mosaic_0001>

<sc_bundles>
// kernel: kernel.3.cloned.1.call-start
scs
__scs_entry_jumppad:
0x0: {  	(pc) =	sbr.rel $0x88, $3  }
0x1: {  	(tag) =	ssettag $0x0;
	lr =	simm.s32 $0x1  }
0x2: {  	[smem:$0x3F9D] =	sst lr;
	_ =	strace $0xD0000000  }
0x3: {  	_ = 	snop  }
0x4: {  	_ = 	snop  }
0x5: {  	_ = 	snop  }
0x6: {  	_ = 	snop  }
0x7: {  	_ = 	snop  }
__scs_overlays_trampoline_lowered:
0x8: {  	[smem:$0x3FAC] =	sst s0  }
0x9: {  	[smem:$0x3FAD] =	sst s1  }
0xa: {  	[smem:$0x3FAE] =	sst s2  }
0xb: {  	[smem:$0x3FAF] =	sst s3  }
0xc: {  	[smem:$0x3FB0] =	sst s4  }
0xd: {  	[smem:$0x3FB1] =	sst s5  }
0xe: {  	[smem:$0x3FB2] =	sst s6  }
0xf: {  	[smem:$0x3FB3] =	sst s7  }
0x10: {  	[smem:$0x3FB4] =	sst s8  }
0x11: {  	[smem:$0x3FB5] =	sst s9;
	s0 =	simm.s32 @!p0 $0x0  }
0x12: {  	s1 =	sld [smem:$0x3F9B];
	s0 =	simm.s32 @p0 $0x1  }
0x13: {  	[smem:$0x3FB6] =	sst s0;
	s0 =	simm.s32 @!p1 $0x0  }
0x14: {  	s2 =	sld [smem:$0x3F9A];
	s0 =	simm.s32 @p1 $0x1  }
0x15: {  	[smem:$0x3FB7] =	sst s0;
	s0 =	simm.s32 @!p2 $0x0  }
0x16: {  	s3 =	sld [smem:$0x3FDB];
	s0 =	simm.s32 @p2 $0x1  }
0x17: {  	s4 =	simm.s32 $0x1BF5;
	[smem:$0x3FB9] =	sst s0  }
0x18: {  	s0 =	sld [smem:$0x3F9C];
	_ =	swait.ge [sflag:s4], $0x0  }
0x19: {  	s7 =	sld [smem:$0x3F9D]  }
0x1a: {  	s8 =	sadd.s32 $0xFFFFE003, lr  }
0x1b: {  	s9 =	sadd.s32 $0xFFFFFEF7, lr;
	s5 =	simm.s32 $0xFFFFFFFF;
	p2 =	slt.u32 s8, $0xFFFFF086  }
0x1c: {  	p1 =	slt.u32 s9, $0xF7A;
	s5 =	simm.s32 @!p2 $0x0  }
0x1d: {  	s5 =	simm.s32 @p1 $0x1;
	p0 =	seq.s32 s7, s2  }
0x1e: {  	s7 =	smul.u32 @!p0 $0xF7A, s2;
	p2 =	seq.s32 @!p0 s5, $0x0  }
0x1f: {  	s9 =	smul.u32 $0xF7A, s1;
	s8 =	simm.s32 @!p0 $0x1BF5;
	p2 =	por !p2, p0  }
0x20: {  	[sflag:s8] =	ssyncset.s32 @!p0 $0xFFFFF086;
	s6 =	sadd.s32 @!p0 s3, s7;
	s7 =	simm.s32 @!p0 $0x108  }
0x21: {  	s3 =	sadd.s32 s3, s9;
	s6 =	sadd.s32 @!p0 $0x88, s6;
	s7 =	simm.s32 @p2 $0x1082  }
0x22: {  	[simem:s7], [sflag:s8] =	dma.local @!p0 [hbm:s6], $0xF7A  }
0x23: {  	s9 =	sor.u32 $0xD0000000, s2;
	s6 =	simm.s32 $0x108;
	_ =	swait.ge @!p0 [sflag:s8], $0x0  }
0x24: {  	s3 =	sadd.s32 $0x88, s3;
	s6 =	simm.s32 @!p1 $0x1082;
	[sflag:s4] =	ssyncset.s32 $0xFFFFF086  }
0x25: {  	[simem:s6], [sflag:s4] =	dma.local [hbm:s3], $0xF7A  }
0x26: {  	[smem:$0x3F9D] =	sst s1;
	(tag) =	ssettag s2;
	_ =	strace s9  }
0x27: {  	s1 =	sld [smem:$0x3FAD]  }
0x28: {  	s2 =	sld [smem:$0x3FAE]  }
0x29: {  	s4 =	sld [smem:$0x3FB0]  }
0x2a: {  	p0 =	seq.s32 s5, $0x0;
	s5 =	sld [smem:$0x3FB1]  }
0x2b: {  	s6 =	sld [smem:$0x3FB2]  }
0x2c: {  	s7 =	sld [smem:$0x3FB3]  }
0x2d: {  	s3 =	simm.s32 $0x108;
	s8 =	sld [smem:$0x3FB4]  }
0x2e: {  	s3 =	simm.s32 @!p0 $0x1082;
	s9 =	sld [smem:$0x3FB5]  }
0x2f: {  	lr =	sadd.s32 s0, s3;
	s0 =	sld [smem:$0x3FAC]  }
0x30: {  	s3 =	sld [smem:$0x3FAF]  }
0x31: {  	[smem:$0x3FB8] =	sst s10  }
0x32: {  	s10 =	sld [smem:$0x3FB6];
	_ =	sdelay $0x3  }
0x33: {  	p0 =	seq.s32 s10, $0x1;
	s10 =	sld [smem:$0x3FB8];
	_ =	sdelay $0x3  }
0x34: {  	[smem:$0x3FB8] =	sst s10  }
0x35: {  	s10 =	sld [smem:$0x3FB7];
	_ =	sdelay $0x3  }
0x36: {  	p1 =	seq.s32 s10, $0x1;
	s10 =	sld [smem:$0x3FB8];
	_ =	sdelay $0x3  }
0x37: {  	[smem:$0x3FB8] =	sst s10  }
0x38: {  	s10 =	sld [smem:$0x3FB9]  }
0x39: {  	_ = 	snop;
	(pc) =	sbr.ind lr, $3  }
0x3a: {  	_ = 	snop  }
0x3b: {  	_ = 	snop  }
0x3c: {  	p2 =	seq.s32 s10, $0x1;
	s10 =	sld [smem:$0x3FB8]  }
0x3d: {  	_ =	shalt  }
0x3e: {  	_ =	shalt  }
0x3f: {  	_ =	shalt  }
0x40: {  	_ =	shalt  }
0x41: {  	_ =	shalt  }
0x42: {  	_ =	shalt  }
0x43: {  	_ =	shalt  }
0x44: {  	_ =	shalt  }
0x45: {  	_ =	shalt  }
0x46: {  	_ =	shalt  }
0x47: {  	_ =	shalt  }
0x48: {  	_ =	shalt  }
0x49: {  	_ =	shalt  }
0x4a: {  	_ =	shalt  }
0x4b: {  	_ =	shalt  }
0x4c: {  	_ =	shalt  }
0x4d: {  	_ =	shalt  }
0x4e: {  	_ =	shalt  }
0x4f: {  	_ =	shalt  }
0x50: {  	_ =	shalt  }
0x51: {  	_ =	shalt  }
0x52: {  	_ =	shalt  }
0x53: {  	_ =	shalt  }
0x54: {  	_ =	shalt  }
0x55: {  	_ =	shalt  }
0x56: {  	_ =	shalt  }
0x57: {  	_ =	shalt  }
0x58: {  	_ =	shalt  }
0x59: {  	_ =	shalt  }
0x5a: {  	_ =	shalt  }
0x5b: {  	_ =	shalt  }
0x5c: {  	_ =	shalt  }
0x5d: {  	_ =	shalt  }
0x5e: {  	_ =	shalt  }
0x5f: {  	_ =	shalt  }
0x60: {  	_ =	shalt  }
0x61: {  	_ =	shalt  }
0x62: {  	_ =	shalt  }
0x63: {  	_ =	shalt  }
0x64: {  	_ =	shalt  }
0x65: {  	_ =	shalt  }
0x66: {  	_ =	shalt  }
0x67: {  	_ =	shalt  }
0x68: {  	_ =	shalt  }
0x69: {  	_ =	shalt  }
0x6a: {  	_ =	shalt  }
0x6b: {  	_ =	shalt  }
0x6c: {  	_ =	shalt  }
0x6d: {  	_ =	shalt  }
0x6e: {  	_ =	shalt  }
0x6f: {  	_ =	shalt  }
0x70: {  	_ =	shalt  }
0x71: {  	_ =	shalt  }
0x72: {  	_ =	shalt  }
0x73: {  	_ =	shalt  }
0x74: {  	_ =	shalt  }
0x75: {  	_ =	shalt  }
0x76: {  	_ =	shalt  }
0x77: {  	_ =	shalt  }
0x78: {  	_ =	shalt  }
0x79: {  	_ =	shalt  }
0x7a: {  	_ =	shalt  }
0x7b: {  	_ =	shalt  }
0x7c: {  	_ =	shalt  }
0x7d: {  	_ =	shalt  }
0x7e: {  	_ =	shalt  }
0x7f: {  	_ =	shalt  }
0x80: {  	_ =	shalt  }
0x81: {  	_ =	shalt  }
0x82: {  	_ =	shalt  }
0x83: {  	_ =	shalt  }
0x84: {  	_ =	shalt  }
0x85: {  	_ =	shalt  }
0x86: {  	_ =	shalt  }
0x87: {  	_ =	shalt  }
.Lfunc_end0:
.L_simem_size_0:
called_computation_lowered:
.L_overlay_start_0:
0x88: {  	s2 =	sld [smem:$0x3FD9]  }
0x89: {  	s3 =	sld [smem:$0x3FFE];
	_ =	sdelay $0x1  }
0x8a: {  	s1 =	srdreg.scid  }
0x8b: {  	s0 =	sand.u32 $0x1, s1  }
0x8c: {  	s17 =	sshll.u32 s0, $0xA;
	s2 =	sadd.s32 s3, s2  }
0x8d: {  	s2 =	sadd.s32 s2, s17  }
0x8e: {  	[smem:$0x3FC4] =	sst s2  }
0x8f: {  	_ = 	snop  }
0x90: {  	s2 =	sld [smem:$0x3FC9]  }
0x91: {  	s18 =	sld [smem:$0x3FC8]  }
0x92: {  	s4 =	sld [smem:$0x3FD0];
	(tm) =	ssettm $0x1  }
0x93: {  	s5 =	sld [smem:$0x3FFB];
	_ =	sdelay $0x3  }
0x94: {  	_ =	strace s5  }
0x95: {  	s5 =	sld [smem:$0x3FFC];
	_ =	sdelay $0x3  }
0x96: {  	_ =	strace s5  }
0x97: {  	s5 =	sld [smem:$0x3FFD];
	_ =	sdelay $0x3  }
0x98: {  	_ =	strace s5  }
0x99: {  	_ =	strace $0x8FFFFFFF  }
0x9a: {  	s19 =	sld [smem:$0x3FDB];
	_ =	sdelay $0x1  }
0x9b: {  	s6 =	simm.s32 $_scs_section_size  }
0x9c: {  	s7 =	simm.s32 $_size__tile_overlayer_lowered;
	s8 =	simm.s32 $_tile_overlayer_lowered  }
0x9d: {  	s22 =	simm.s32 $0x1BFF;
	s21 =	sshll.u32 s8, $0x1;
	s5 =	sadd.s32 s6, s19  }
0x9e: {  	s9 =	simm.s32 $0x0;
	s20 =	sshll.u32 s7, $0x1;
	s7 =	sadd.s32 s21, s5  }
0x9f: {  	[timem:s9], [sflag:s22] =	dma.local [hbm:s7], s20  }
0xa0: {  	_ =	swait.ge [sflag:s22], s20  }
0xa1: {  	s6 =	ssub.s32 $0x0, s20;
	[sflag:s22] =	ssyncset.done $0x0  }
0xa2: {  	[sflag:s22] =	ssyncadd.s32 s6;
	_ =	sdelay $0x1  }
0xa3: {  	s23 =	simm.s32 $0x1B8B  }
0xa4: {  	_ =	swait.ge [sflag:s23], $0x1  }
0xa5: {  	[sflag:s23] =	ssyncset.done $0x0  }
0xa6: {  	s25 =	simm.s32 $0x1B8E;
	s24 =	sld [smem:$0x3FFE];
	[sflag:s23] =	ssyncadd.s32 $0xFFFFFFFF  }
0xa7: {  	s26 =	simm.s32 $execute0_lowered;
	[smem:$0x3FD2] =	sst s25  }
0xa8: {  	s7 =	sshll.u32 s26, $0x1;
	_ =	strace $0x80000046;
	[dreg:$0x1] =	wrdreg $0xFFFFFFFF  }
0xa9: {  	s28 =	simm.s32 $_size_execute0_lowered;
	s5 =	sadd.s32 s5, s7;
	[dreg:$0x0] =	wrdreg $0x0  }
0xaa: {  	s7 =	sshll.u32 s28, $0x1;
	[dreg:$0x2] =	wrdreg s5  }
0xab: {  	[dreg:$0x3] =	wrdreg s7  }
0xac: {  	[dreg:$0x4] =	wrdreg $0xC0  }
0xad: {  	_ =	task [dreg:s9], $0x5FFFF  }
0xae: {  	[dreg:$0x1] =	wrdreg $0xFFFFFFFF  }
0xaf: {  	[dreg:$0x0] =	wrdreg $0x60  }
0xb0: {  	[dreg:$0x2] =	wrdreg s2  }
0xb1: {  	[dreg:$0x3] =	wrdreg s18  }
0xb2: {  	[dreg:$0x4] =	wrdreg s24  }
0xb3: {  	[dreg:$0x5] =	wrdreg s4  }
0xb4: {  	[dreg:$0x6] =	wrdreg $0x9  }
0xb5: {  	_ =	task.clear_ibuf [dreg:s9], $0x7FFFF;
	_ =	strace $0x90000046  }
0xb6: {  	s29 =	simm.s32 $0x9;
	_ =	strace $0x80000048  }
0xb7: {  	_ =	swait.ge [sflag:s29], $0x1  }
0xb8: {  	[sflag:s29] =	ssyncadd.s32 $0xFFFFFFFF  }
0xb9: {  	_ =	strace $0x90000048  }
0xba: {  	_ =	sfence  }
0xbb: {  	s30 =	sld [smem:$0x0];
	_ =	sdelay $0x2  }
0xbc: {  	s31 =	sshll.u32 s1, $0xD;
	s1 =	sshrl.u32 s1, $0x2  }
0xbd: {  	s3 =	sand.u32 $0x4000, s31;
	s1 =	sadd.s32 s1, s30  }
0xbe: {  	s0 =	sor.u32 s3, s0;
	s1 =	sshll.u32 s1, $0x11  }
0xbf: {  	s0 =	sor.u32 s1, s0  }
0xc0: {  	s0 =	sadd.s32 $0x8F2B, s0  }
0xc1: {  	[sflag:s0] =	ssyncadd.remote.s32 $0x1  }
0xc2: {  	_ =	sfence.sel $0xFFFF  }
0xc3: {  	[dreg:$0x0] =	wrdreg $0xFFFFFFFF;
	(pc) =	sbr.abs _section_cstart, $3  }
0xc4: {  	[dreg:$0x1] =	wrdreg $0xFFFFFFFF  }
0xc5: {  	_ =	task.clear_ibuf [dreg:s9], $0x2FFFF;
	_ =	strace $0x9FFFFFFF  }
0xc6: {  	(tm) =	ssettm $0x7FFFFFFF  }
0xc7: {  	_ =	shalt  }
tec
execute0_lowered:
.L_overlay_start_1:
0x0: {  	(tag) =	ssettag $0x1  }
0x1: {  	s5 =	rddreg [dreg:$0x0]  }
0x2: {  	s6 =	rddreg [dreg:$0x1]  }
0x3: {  	s4 =	rddreg [dreg:$0x2]  }
0x4: {  	s7 =	rddreg [dreg:$0x3]  }
0x5: {  	s0 =	rddreg [dreg:$0x4];
	s1 =	simm.s32 $0x0  }
0x6: {  	s8 =	srdreg.scid;
	s2 =	stileid.u32;
	s12 =	simm.s32 $0x400  }
0x7: {  	s13 =	simm.s32 $0x8400;
	s14 =	simm.s32 $0x4400;
	s15 =	simm.s32 $0x280  }
0x8: {  	s16 =	simm.s32 $0xC400;
	s17 =	simm.s32 $0x1;
	s18 =	simm.s32 $0x2  }
0x9: {  	s19 =	simm.s32 $0x10400;
	s20 =	simm.s32 $0x100;
	s21 =	simm.s32 $0x300  }
0xa: {  	s22 =	simm.s32 $0x180;
	s23 =	simm.s32 $0x380;
	s24 =	simm.s32 $0x0  }
0xb: {  	vm0 =	vmmov $0x1;
	[smem:$0x7FF] =	sst s1;
	s3 =	sadd.s32 $0x1E84C00, s4;
	s8 =	sand.u32 $0x1, s8  }
0xc: {  	vm1 =	vmmov $0x3;
	vm2 =	vmmov $0x7;
	vm3 =	vmmov $0xf;
	s10 =	sshll.u32 s2, $0x7;
	s4 =	sadd.s32 $0x400, s4;
	s9 =	ssub.s32 $0x2, s8  }
0xd: {  	vm4 =	vmmov $0x1f;
	vm5 =	vmmov $0x3f;
	vm6 =	vmmov $0x7f;
	_ =	strace $0x80000047;
	s8 =	sshll.u32 s8, $0x6;
	s11 =	sshrl.u32 s9, $0x1  }
0xe: {  	vm7 =	vmmov $0xff;
	vm8 =	vmmov $0x1ff;
	vm9 =	vmmov $0x3ff;
	s8 =	sor.u32 s8, s10;
	s10 =	simm.s32 $0x200;
	s9 =	ssub.s32 s9, s11  }
0xf: {  	vm10 =	vmmov $0x7ff;
	vm11 =	vmmov $0xfff;
	vm12 =	vmmov $0x1fff;
	s5 =	sadd.s32 s5, s8;
	s6 =	sadd.s32 s6, s8;
	s7 =	sadd.s32 s7, s8  }
0x10: {  	vm13 =	vmmov $0x3fff;
	vm14 =	vmmov $0x7fff;
	v0 =	vlaneseq.u32;
	s11 =	simm.s32 $0x80;
	s8 =	smax.u32 s9, $0x1;
	s9 =	simm.s32 $0x3  }
.LBB2_1:
0x11: {  	[tilespmem:s1], [sflag:$0x3] =	stream.linear.gather [hbm4b:s5+s1], $0x200, $0x38;
	[tilespmem:$0x10600] =	vst v63  }
0x12: {  	_ =	swait.ge [sflag:s9], $0x200  }
0x13: {  	[sflag:s9] =	ssyncset.done $0x0  }
0x14: {  	[sflag:s9] =	ssyncadd.s32 $0xFFFFFE00  }
0x15: {  	[tilespmem:s10], [sflag:$0x3] =	stream.linear.gather [hbm4b:s6+s1], $0x200, $0x38;
	[tilespmem:$0x10600] =	vst v63  }
0x16: {  	_ =	swait.ge [sflag:s9], $0x200  }
0x17: {  	[sflag:s9] =	ssyncset.done $0x0  }
0x18: {  	[sflag:s9] =	ssyncadd.s32 $0xFFFFFE00  }
0x19: {  	[tilespmem:s12], [sflag:$0x1] =	stream.indirect.gather [hbm4b:s3+s11], $0x80, s1, s11, $0xb8;
	[tilespmem:$0x10600] =	vst v63  }
0x1a: {  	_ = 	snop  }
0x1b: {  	[tilespmem:s13], [sflag:$0x2] =	stream.indirect.gather [hbm4b:s4+s11], $0x80, s10, s11, $0xb8;
	[tilespmem:$0x10600] =	vst v63  }
0x1c: {  	_ = 	snop  }
0x1d: {  	[tilespmem:s14], [sflag:$0x1] =	stream.indirect.gather [hbm4b:s3+s11], $0x80, s11, s11, $0xb8;
	[tilespmem:$0x10600] =	vst v63  }
0x1e: {  	_ = 	snop  }
0x1f: {  	[tilespmem:s16], [sflag:$0x2] =	stream.indirect.gather [hbm4b:s4+s11], $0x80, s15, s11, $0xb8;
	[tilespmem:$0x10600] =	vst v63  }
0x20: {  	_ =	swait.ge [sflag:s17], $0x4000  }
0x21: {  	[sflag:s17] =	ssyncset.done $0x0  }
0x22: {  	[sflag:s17] =	ssyncadd.s32 $0xFFFFC000  }
0x23: {  	_ =	swait.ge [sflag:s18], $0x4000  }
0x24: {  	s25 =	simm.s32 $0x800;
	[sflag:s18] =	ssyncset.done $0x0  }
0x25: {  	s26 =	simm.s32 $0x8800;
	s28 =	simm.s32 $0x0;
	[sflag:s18] =	ssyncadd.s32 $0xFFFFC000  }
.LBB2_2:
0x26: {  	v1 =	vld [tilespmem:s25+$0xFFFFFC00]  }
0x27: {  	v2 =	vld [tilespmem:s26+$0xFFFFFC00]  }
0x28: {  	v3 =	vld [tilespmem:s25+$0xFFFFFC80]  }
0x29: {  	v4 =	vld [tilespmem:s26+$0xFFFFFC80]  }
0x2a: {  	v5 =	vld [tilespmem:s25+$0xFFFFFD00]  }
0x2b: {  	v6 =	vld [tilespmem:s26+$0xFFFFFD00]  }
0x2c: {  	v7 =	vld [tilespmem:s25+$0xFFFFFD80]  }
0x2d: {  	v8 =	vld [tilespmem:s26+$0xFFFFFD80]  }
0x2e: {  	v9 =	vld [tilespmem:s25+$0xFFFFFE00]  }
0x2f: {  	v10 =	vld [tilespmem:s26+$0xFFFFFE00]  }
0x30: {  	v11 =	vld [tilespmem:s25+$0xFFFFFE80]  }
0x31: {  	v12 =	vld [tilespmem:s26+$0xFFFFFE80]  }
0x32: {  	v13 =	vld [tilespmem:s25+$0xFFFFFF00]  }
0x33: {  	v14 =	vld [tilespmem:s26+$0xFFFFFF00]  }
0x34: {  	v15 =	vld [tilespmem:s25+$0xFFFFFF80]  }
0x35: {  	v16 =	vld [tilespmem:s26+$0xFFFFFF80]  }
0x36: {  	v17 =	vld [tilespmem:s25+$0x0]  }
0x37: {  	v18 =	vld [tilespmem:s26+$0x0]  }
0x38: {  	v19 =	vld [tilespmem:s25+$0x80]  }
0x39: {  	v20 =	vld [tilespmem:s26+$0x80]  }
0x3a: {  	v34 =	vld [tilespmem:s26+$0x100];
	v1 =	vmul.f32 v2, v1  }
0x3b: {  	v35 =	vld [tilespmem:s25+$0x180];
	v3 =	vmul.f32 v4, v3  }
0x3c: {  	v36 =	vld [tilespmem:s26+$0x180];
	(xrf2) =	vadd.scan.msk.f32 $0xffff, v1;
	v1 =	vmul.f32 v6, v5  }
0x3d: {  	v37 =	vld [tilespmem:s25+$0x200];
	(xrf2) =	vadd.scan.msk.f32 $0xffff, v3;
	v3 =	vmul.f32 v8, v7  }
0x3e: {  	v38 =	vld [tilespmem:s26+$0x200];
	(xrf2) =	vadd.scan.msk.f32 $0xffff, v1;
	v1 =	vmul.f32 v10, v9  }
0x3f: {  	v2 =	vld [tilespmem:s25+$0x100];
	(xrf2) =	vadd.scan.msk.f32 $0xffff, v3;
	v3 =	vmul.f32 v12, v11  }
0x40: {  	v39 =	vld [tilespmem:s25+$0x280];
	(xrf2) =	vadd.scan.msk.f32 $0xffff, v1;
	v1 =	vmul.f32 v14, v13  }
0x41: {  	v40 =	vld [tilespmem:s26+$0x280];
	(xrf2) =	vadd.scan.msk.f32 $0xffff, v3;
	v3 =	vmul.f32 v16, v15  }
0x42: {  	v41 =	vld [tilespmem:s25+$0x300];
	(xrf2) =	vadd.scan.msk.f32 $0xffff, v1;
	v1 =	vmul.f32 v18, v17  }
0x43: {  	v42 =	vld [tilespmem:s26+$0x300];
	(xrf2) =	vadd.scan.msk.f32 $0xffff, v3;
	v3 =	vmul.f32 v20, v19  }
0x44: {  	v44 =	vld [tilespmem:s26+$0x380];
	(xrf2) =	vadd.scan.msk.f32 $0xffff, v1;
	v1 =	vmul.f32 v34, v2  }
0x45: {  	v2 =	vmul.f32 v36, v35;
	(xrf2) =	vadd.scan.msk.f32 $0xffff, v3;
	v3 =	vld [tilespmem:s25+$0x380]  }
0x46: {  	v43, _, _ =	vpop (xrf2);
	(xrf2) =	vadd.scan.msk.f32 $0xffff, v1;
	v1 =	vmul.f32 v38, v37  }
0x47: {  	v46 =	vmul.f32 v40, v39;
	v45, _, _ =	vpop (xrf2);
	(xrf2) =	vadd.scan.msk.f32 $0xffff, v2  }
0x48: {  	v2 =	vbroadcast v43, $0xF;
	v47, _, _ =	vpop (xrf2);
	(xrf2) =	vadd.scan.msk.f32 $0xffff, v1;
	v1 =	vbroadcast v45, $0xF  }
0x49: {  	v48 =	vmul.f32 v42, v41;
	v49, _, _ =	vpop (xrf2);
	(xrf2) =	vadd.scan.msk.f32 $0xffff, v46;
	v50 =	vbroadcast v47, $0xF  }
0x4a: {  	v1 =	vsel vm0, v2, v1;
	v2 =	vbroadcast v49, $0xF;
	v51, _, _ =	vpop (xrf2);
	v3 =	vmul.f32 v44, v3  }
0x4b: {  	(xrf2) =	vadd.scan.msk.f32 $0xffff, v48;
	v52, _, _ =	vpop (xrf2);
	v1 =	vsel vm1, v1, v50;
	v53 =	vbroadcast v51, $0xF  }
0x4c: {  	v54, _, _ =	vpop (xrf2);
	v1 =	vsel vm2, v1, v2;
	v2 =	vbroadcast v52, $0xF  }
0x4d: {  	v1 =	vsel vm3, v1, v53;
	v55 =	vbroadcast v54, $0xF;
	v56, _, _ =	vpop (xrf2)  }
0x4e: {  	(xrf2) =	vadd.scan.msk.f32 $0xffff, v3;
	v3, _, _ =	vpop (xrf2);
	v1 =	vsel vm4, v1, v2;
	v2 =	vbroadcast v56, $0xF  }
0x4f: {  	v57, _, _ =	vpop (xrf2);
	v1 =	vsel vm5, v1, v55;
	v3 =	vbroadcast v3, $0xF  }
0x50: {  	v58, _, _ =	vpop (xrf2);
	v1 =	vsel vm6, v1, v2;
	v2 =	vbroadcast v57, $0xF  }
0x51: {  	v59, _, _ =	vpop (xrf2);
	v1 =	vsel vm7, v1, v3;
	v3 =	vbroadcast v58, $0xF  }
0x52: {  	v60, _, _ =	vpop (xrf2);
	v1 =	vsel vm8, v1, v2;
	v2 =	vbroadcast v59, $0xF  }
0x53: {  	v61, _, _ =	vpop (xrf2);
	v1 =	vsel vm9, v1, v3  }
0x54: {  	v3 =	vbroadcast v60, $0xF;
	v1 =	vsel vm10, v1, v2;
	v2 =	vbroadcast v61, $0xF  }
0x55: {  	v63 =	vor.u32 s28, v0;
	p0 =	sne.s32 s28, $0x70;
	v62, _, _ =	vpop (xrf2)  }
.Ltmp0:
0x56: {  	v1 =	vsel vm11, v1, v3;
	v3 =	vbroadcast v62, $0xF;
	(pc) =	sbr.rel @p0 .LBB2_2-.Ltmp0, $4  }
0x57: {  	v1 =	vsel vm12, v1, v2  }
0x58: {  	v1 =	vsel vm13, v1, v3;
	v2, _, _ =	vpop (xrf2)  }
0x59: {  	v1 =	vsel vm14, v1, v2  }
0x5a: {  	s26 =	sadd.s32 $0x800, s26;
	s28 =	sadd.s32 $0x10, s28;
	s25 =	sadd.s32 $0x800, s25;
	[tilespmem:v63+s19+$0x0] =	vst.idx.msk $0xffff, v1  }
0x5b: {  	s25 =	simm.s32 $0x80  }
0x5c: {  	[tilespmem:s12], [sflag:$0x1] =	stream.indirect.gather [hbm4b:s3+s25], $0x80, s20, s25, $0xb8;
	[tilespmem:$0x10600] =	vst v63  }
0x5d: {  	_ = 	snop  }
0x5e: {  	[tilespmem:s13], [sflag:$0x2] =	stream.indirect.gather [hbm4b:s4+s25], $0x80, s21, s25, $0xb8;
	[tilespmem:$0x10600] =	vst v63  }
0x5f: {  	_ =	swait.ge [sflag:s17], $0x4000  }
0x60: {  	[sflag:s17] =	ssyncset.done $0x0  }
0x61: {  	[sflag:s17] =	ssyncadd.s32 $0xFFFFC000  }
0x62: {  	_ =	swait.ge [sflag:s18], $0x4000  }
0x63: {  	[sflag:s18] =	ssyncset.done $0x0  }
0x64: {  	s26 =	simm.s32 $0x0;
	[sflag:s18] =	ssyncadd.s32 $0xFFFFC000  }
.LBB2_4:
0x65: {  	s28 =	sshra.s32 s26, $0x2  }
0x66: {  	v1 =	vld [tilespmem:s28+$0x4400]  }
0x67: {  	v2 =	vld [tilespmem:s28+$0xC400]  }
0x68: {  	v3 =	vld [tilespmem:s28+$0x4480]  }
0x69: {  	v4 =	vld [tilespmem:s28+$0xC480]  }
0x6a: {  	v5 =	vld [tilespmem:s28+$0x4500]  }
0x6b: {  	v6 =	vld [tilespmem:s28+$0xC500]  }
0x6c: {  	v7 =	vld [tilespmem:s28+$0x4580]  }
0x6d: {  	v8 =	vld [tilespmem:s28+$0xC580]  }
0x6e: {  	v9 =	vld [tilespmem:s28+$0x4600]  }
0x6f: {  	v10 =	vld [tilespmem:s28+$0xC600]  }
0x70: {  	v11 =	vld [tilespmem:s28+$0x4680]  }
0x71: {  	v12 =	vld [tilespmem:s28+$0xC680]  }
0x72: {  	v13 =	vld [tilespmem:s28+$0x4700]  }
0x73: {  	v14 =	vld [tilespmem:s28+$0xC700]  }
0x74: {  	v15 =	vld [tilespmem:s28+$0x4780]  }
0x75: {  	v16 =	vld [tilespmem:s28+$0xC780]  }
0x76: {  	v17 =	vld [tilespmem:s28+$0x4800]  }
0x77: {  	v18 =	vld [tilespmem:s28+$0xC800]  }
0x78: {  	v19 =	vld [tilespmem:s28+$0x4880]  }
0x79: {  	v20 =	vld [tilespmem:s28+$0xC880]  }
0x7a: {  	v34 =	vld [tilespmem:s28+$0xC900];
	v1 =	vmul.f32 v2, v1  }
0x7b: {  	v35 =	vld [tilespmem:s28+$0x4980];
	v3 =	vmul.f32 v4, v3  }
0x7c: {  	v36 =	vld [tilespmem:s28+$0xC980];
	(xrf2) =	vadd.scan.msk.f32 $0xffff, v1;
	v1 =	vmul.f32 v6, v5  }
0x7d: {  	v37 =	vld [tilespmem:s28+$0x4A00];
	(xrf2) =	vadd.scan.msk.f32 $0xffff, v3;
	v3 =	vmul.f32 v8, v7  }
0x7e: {  	v38 =	vld [tilespmem:s28+$0xCA00];
	(xrf2) =	vadd.scan.msk.f32 $0xffff, v1;
	v1 =	vmul.f32 v10, v9  }
0x7f: {  	v2 =	vld [tilespmem:s28+$0x4900];
	(xrf2) =	vadd.scan.msk.f32 $0xffff, v3;
	v3 =	vmul.f32 v12, v11  }
0x80: {  	v39 =	vld [tilespmem:s28+$0x4A80];
	(xrf2) =	vadd.scan.msk.f32 $0xffff, v1;
	v1 =	vmul.f32 v14, v13  }
0x81: {  	v40 =	vld [tilespmem:s28+$0xCA80];
	(xrf2) =	vadd.scan.msk.f32 $0xffff, v3;
	v3 =	vmul.f32 v16, v15  }
0x82: {  	v41 =	vld [tilespmem:s28+$0x4B00];
	(xrf2) =	vadd.scan.msk.f32 $0xffff, v1;
	v1 =	vmul.f32 v18, v17  }
0x83: {  	v42 =	vld [tilespmem:s28+$0xCB00];
	(xrf2) =	vadd.scan.msk.f32 $0xffff, v3;
	v3 =	vmul.f32 v20, v19  }
0x84: {  	v44 =	vld [tilespmem:s28+$0xCB80];
	(xrf2) =	vadd.scan.msk.f32 $0xffff, v1;
	v1 =	vmul.f32 v34, v2  }
0x85: {  	v2 =	vmul.f32 v36, v35;
	(xrf2) =	vadd.scan.msk.f32 $0xffff, v3;
	v3 =	vld [tilespmem:s28+$0x4B80]  }
0x86: {  	v43, _, _ =	vpop (xrf2);
	(xrf2) =	vadd.scan.msk.f32 $0xffff, v1;
	v1 =	vmul.f32 v38, v37  }
0x87: {  	v46 =	vmul.f32 v40, v39;
	v45, _, _ =	vpop (xrf2);
	(xrf2) =	vadd.scan.msk.f32 $0xffff, v2  }
0x88: {  	v2 =	vbroadcast v43, $0xF;
	v47, _, _ =	vpop (xrf2);
	(xrf2) =	vadd.scan.msk.f32 $0xffff, v1;
	v1 =	vbroadcast v45, $0xF  }
0x89: {  	v48 =	vmul.f32 v42, v41;
	v49, _, _ =	vpop (xrf2);
	(xrf2) =	vadd.scan.msk.f32 $0xffff, v46;
	v50 =	vbroadcast v47, $0xF  }
0x8a: {  	v1 =	vsel vm0, v2, v1;
	v2 =	vbroadcast v49, $0xF;
	v51, _, _ =	vpop (xrf2);
	v3 =	vmul.f32 v44, v3  }
0x8b: {  	(xrf2) =	vadd.scan.msk.f32 $0xffff, v48;
	v52, _, _ =	vpop (xrf2);
	v1 =	vsel vm1, v1, v50;
	v53 =	vbroadcast v51, $0xF  }
0x8c: {  	v54, _, _ =	vpop (xrf2);
	v1 =	vsel vm2, v1, v2;
	v2 =	vbroadcast v52, $0xF  }
0x8d: {  	v1 =	vsel vm3, v1, v53;
	v55 =	vbroadcast v54, $0xF;
	v56, _, _ =	vpop (xrf2)  }
0x8e: {  	(xrf2) =	vadd.scan.msk.f32 $0xffff, v3;
	v3, _, _ =	vpop (xrf2);
	v1 =	vsel vm4, v1, v2;
	v2 =	vbroadcast v56, $0xF  }
0x8f: {  	v57, _, _ =	vpop (xrf2);
	v1 =	vsel vm5, v1, v55;
	v3 =	vbroadcast v3, $0xF  }
0x90: {  	v58, _, _ =	vpop (xrf2);
	v1 =	vsel vm6, v1, v2;
	v2 =	vbroadcast v57, $0xF  }
0x91: {  	v59, _, _ =	vpop (xrf2);
	v1 =	vsel vm7, v1, v3;
	v3 =	vbroadcast v58, $0xF  }
0x92: {  	v60, _, _ =	vpop (xrf2);
	v1 =	vsel vm8, v1, v2;
	v2 =	vbroadcast v59, $0xF  }
0x93: {  	v61, _, _ =	vpop (xrf2);
	v1 =	vsel vm9, v1, v3  }
0x94: {  	v3 =	vbroadcast v60, $0xF;
	v1 =	vsel vm10, v1, v2;
	v2 =	vbroadcast v61, $0xF  }
0x95: {  	v63 =	vor.u32 s25, v0;
	p0 =	sne.s32 s26, $0xE000;
	v62, _, _ =	vpop (xrf2)  }
.Ltmp1:
0x96: {  	v1 =	vsel vm11, v1, v3;
	v3 =	vbroadcast v62, $0xF;
	(pc) =	sbr.rel @p0 .LBB2_4-.Ltmp1, $4  }
0x97: {  	v1 =	vsel vm12, v1, v2  }
0x98: {  	v1 =	vsel vm13, v1, v3;
	v2, _, _ =	vpop (xrf2)  }
0x99: {  	v1 =	vsel vm14, v1, v2  }
0x9a: {  	s25 =	sadd.s32 $0x10, s25;
	s26 =	sadd.s32 $0x2000, s26;
	[tilespmem:v63+s19+$0x0] =	vst.idx.msk $0xffff, v1  }
0x9b: {  	[tilespmem:s14], [sflag:$0x1] =	stream.indirect.gather [hbm4b:s3+s11], $0x80, s22, s11, $0xb8;
	[tilespmem:$0x10600] =	vst v63  }
0x9c: {  	_ = 	snop  }
0x9d: {  	[tilespmem:s16], [sflag:$0x2] =	stream.indirect.gather [hbm4b:s4+s11], $0x80, s23, s11, $0xb8;
	[tilespmem:$0x10600] =	vst v63  }
0x9e: {  	_ =	swait.ge [sflag:s17], $0x4000  }
0x9f: {  	[sflag:s17] =	ssyncset.done $0x0  }
0xa0: {  	[sflag:s17] =	ssyncadd.s32 $0xFFFFC000  }
0xa1: {  	_ =	swait.ge [sflag:s18], $0x4000  }
0xa2: {  	s25 =	simm.s32 $0x100;
	[sflag:s18] =	ssyncset.done $0x0  }
0xa3: {  	s26 =	simm.s32 $0x800;
	s28 =	simm.s32 $0x8800;
	[sflag:s18] =	ssyncadd.s32 $0xFFFFC000  }
.LBB2_6:
0xa4: {  	v1 =	vld [tilespmem:s26+$0xFFFFFC00]  }
0xa5: {  	v2 =	vld [tilespmem:s28+$0xFFFFFC00]  }
0xa6: {  	v3 =	vld [tilespmem:s26+$0xFFFFFC80]  }
0xa7: {  	v4 =	vld [tilespmem:s28+$0xFFFFFC80]  }
0xa8: {  	v5 =	vld [tilespmem:s26+$0xFFFFFD00]  }
0xa9: {  	v6 =	vld [tilespmem:s28+$0xFFFFFD00]  }
0xaa: {  	v7 =	vld [tilespmem:s26+$0xFFFFFD80]  }
0xab: {  	v8 =	vld [tilespmem:s28+$0xFFFFFD80]  }
0xac: {  	v9 =	vld [tilespmem:s26+$0xFFFFFE00]  }
0xad: {  	v10 =	vld [tilespmem:s28+$0xFFFFFE00]  }
0xae: {  	v11 =	vld [tilespmem:s26+$0xFFFFFE80]  }
0xaf: {  	v12 =	vld [tilespmem:s28+$0xFFFFFE80]  }
0xb0: {  	v13 =	vld [tilespmem:s26+$0xFFFFFF00]  }
0xb1: {  	v14 =	vld [tilespmem:s28+$0xFFFFFF00]  }
0xb2: {  	v15 =	vld [tilespmem:s26+$0xFFFFFF80]  }
0xb3: {  	v16 =	vld [tilespmem:s28+$0xFFFFFF80]  }
0xb4: {  	v17 =	vld [tilespmem:s26+$0x0]  }
0xb5: {  	v18 =	vld [tilespmem:s28+$0x0]  }
0xb6: {  	v19 =	vld [tilespmem:s26+$0x80]  }
0xb7: {  	v20 =	vld [tilespmem:s28+$0x80]  }
0xb8: {  	v34 =	vld [tilespmem:s28+$0x100];
	v1 =	vmul.f32 v2, v1  }
0xb9: {  	v35 =	vld [tilespmem:s26+$0x180];
	v3 =	vmul.f32 v4, v3  }
0xba: {  	v36 =	vld [tilespmem:s28+$0x180];
	(xrf2) =	vadd.scan.msk.f32 $0xffff, v1;
	v1 =	vmul.f32 v6, v5  }
0xbb: {  	v37 =	vld [tilespmem:s26+$0x200];
	(xrf2) =	vadd.scan.msk.f32 $0xffff, v3;
	v3 =	vmul.f32 v8, v7  }
0xbc: {  	v38 =	vld [tilespmem:s28+$0x200];
	(xrf2) =	vadd.scan.msk.f32 $0xffff, v1;
	v1 =	vmul.f32 v10, v9  }
0xbd: {  	v2 =	vld [tilespmem:s26+$0x100];
	(xrf2) =	vadd.scan.msk.f32 $0xffff, v3;
	v3 =	vmul.f32 v12, v11  }
0xbe: {  	v39 =	vld [tilespmem:s26+$0x280];
	(xrf2) =	vadd.scan.msk.f32 $0xffff, v1;
	v1 =	vmul.f32 v14, v13  }
0xbf: {  	v40 =	vld [tilespmem:s28+$0x280];
	(xrf2) =	vadd.scan.msk.f32 $0xffff, v3;
	v3 =	vmul.f32 v16, v15  }
0xc0: {  	v41 =	vld [tilespmem:s26+$0x300];
	(xrf2) =	vadd.scan.msk.f32 $0xffff, v1;
	v1 =	vmul.f32 v18, v17  }
0xc1: {  	v42 =	vld [tilespmem:s28+$0x300];
	(xrf2) =	vadd.scan.msk.f32 $0xffff, v3;
	v3 =	vmul.f32 v20, v19  }
0xc2: {  	v44 =	vld [tilespmem:s28+$0x380];
	(xrf2) =	vadd.scan.msk.f32 $0xffff, v1;
	v1 =	vmul.f32 v34, v2  }
0xc3: {  	v2 =	vmul.f32 v36, v35;
	(xrf2) =	vadd.scan.msk.f32 $0xffff, v3;
	v3 =	vld [tilespmem:s26+$0x380]  }
0xc4: {  	v43, _, _ =	vpop (xrf2);
	(xrf2) =	vadd.scan.msk.f32 $0xffff, v1;
	v1 =	vmul.f32 v38, v37  }
0xc5: {  	v46 =	vmul.f32 v40, v39;
	v45, _, _ =	vpop (xrf2);
	(xrf2) =	vadd.scan.msk.f32 $0xffff, v2  }
0xc6: {  	v2 =	vbroadcast v43, $0xF;
	v47, _, _ =	vpop (xrf2);
	(xrf2) =	vadd.scan.msk.f32 $0xffff, v1;
	v1 =	vbroadcast v45, $0xF  }
0xc7: {  	v48 =	vmul.f32 v42, v41;
	v49, _, _ =	vpop (xrf2);
	(xrf2) =	vadd.scan.msk.f32 $0xffff, v46;
	v50 =	vbroadcast v47, $0xF  }
0xc8: {  	v1 =	vsel vm0, v2, v1;
	v2 =	vbroadcast v49, $0xF;
	v51, _, _ =	vpop (xrf2);
	v3 =	vmul.f32 v44, v3  }
0xc9: {  	(xrf2) =	vadd.scan.msk.f32 $0xffff, v48;
	v52, _, _ =	vpop (xrf2);
	v1 =	vsel vm1, v1, v50;
	v53 =	vbroadcast v51, $0xF  }
0xca: {  	v54, _, _ =	vpop (xrf2);
	v1 =	vsel vm2, v1, v2;
	v2 =	vbroadcast v52, $0xF  }
0xcb: {  	v1 =	vsel vm3, v1, v53;
	v55 =	vbroadcast v54, $0xF;
	v56, _, _ =	vpop (xrf2)  }
0xcc: {  	(xrf2) =	vadd.scan.msk.f32 $0xffff, v3;
	v3, _, _ =	vpop (xrf2);
	v1 =	vsel vm4, v1, v2;
	v2 =	vbroadcast v56, $0xF  }
0xcd: {  	v57, _, _ =	vpop (xrf2);
	v1 =	vsel vm5, v1, v55;
	v3 =	vbroadcast v3, $0xF  }
0xce: {  	v58, _, _ =	vpop (xrf2);
	v1 =	vsel vm6, v1, v2;
	v2 =	vbroadcast v57, $0xF  }
0xcf: {  	v59, _, _ =	vpop (xrf2);
	v1 =	vsel vm7, v1, v3;
	v3 =	vbroadcast v58, $0xF  }
0xd0: {  	v60, _, _ =	vpop (xrf2);
	v1 =	vsel vm8, v1, v2;
	v2 =	vbroadcast v59, $0xF  }
0xd1: {  	v61, _, _ =	vpop (xrf2);
	v1 =	vsel vm9, v1, v3  }
0xd2: {  	v3 =	vbroadcast v60, $0xF;
	v1 =	vsel vm10, v1, v2;
	v2 =	vbroadcast v61, $0xF  }
0xd3: {  	v63 =	vor.u32 s25, v0;
	p0 =	sne.s32 s25, $0x170;
	v62, _, _ =	vpop (xrf2)  }
.Ltmp2:
0xd4: {  	v1 =	vsel vm11, v1, v3;
	v3 =	vbroadcast v62, $0xF;
	(pc) =	sbr.rel @p0 .LBB2_6-.Ltmp2, $4  }
0xd5: {  	v1 =	vsel vm12, v1, v2  }
0xd6: {  	v1 =	vsel vm13, v1, v3;
	v2, _, _ =	vpop (xrf2)  }
0xd7: {  	v1 =	vsel vm14, v1, v2  }
0xd8: {  	s28 =	sadd.s32 $0x800, s28;
	s25 =	sadd.s32 $0x10, s25;
	s26 =	sadd.s32 $0x800, s26;
	[tilespmem:v63+s19+$0x0] =	vst.idx.msk $0xffff, v1  }
0xd9: {  	_ =	swait.ge [sflag:s17], $0x4000  }
0xda: {  	[sflag:s17] =	ssyncset.done $0x0  }
0xdb: {  	[sflag:s17] =	ssyncadd.s32 $0xFFFFC000  }
0xdc: {  	_ =	swait.ge [sflag:s18], $0x4000  }
0xdd: {  	[sflag:s18] =	ssyncset.done $0x0  }
0xde: {  	s25 =	simm.s32 $0x0;
	s26 =	simm.s32 $0x180;
	[sflag:s18] =	ssyncadd.s32 $0xFFFFC000  }
.LBB2_8:
0xdf: {  	s28 =	sshra.s32 s25, $0x2  }
0xe0: {  	v1 =	vld [tilespmem:s28+$0x4400]  }
0xe1: {  	v2 =	vld [tilespmem:s28+$0xC400]  }
0xe2: {  	v3 =	vld [tilespmem:s28+$0x4480]  }
0xe3: {  	v4 =	vld [tilespmem:s28+$0xC480]  }
0xe4: {  	v5 =	vld [tilespmem:s28+$0x4500]  }
0xe5: {  	v6 =	vld [tilespmem:s28+$0xC500]  }
0xe6: {  	v7 =	vld [tilespmem:s28+$0x4580]  }
0xe7: {  	v8 =	vld [tilespmem:s28+$0xC580]  }
0xe8: {  	v9 =	vld [tilespmem:s28+$0x4600]  }
0xe9: {  	v10 =	vld [tilespmem:s28+$0xC600]  }
0xea: {  	v11 =	vld [tilespmem:s28+$0x4680]  }
0xeb: {  	v12 =	vld [tilespmem:s28+$0xC680]  }
0xec: {  	v13 =	vld [tilespmem:s28+$0x4700]  }
0xed: {  	v14 =	vld [tilespmem:s28+$0xC700]  }
0xee: {  	v15 =	vld [tilespmem:s28+$0x4780]  }
0xef: {  	v16 =	vld [tilespmem:s28+$0xC780]  }
0xf0: {  	v17 =	vld [tilespmem:s28+$0x4800]  }
0xf1: {  	v18 =	vld [tilespmem:s28+$0xC800]  }
0xf2: {  	v19 =	vld [tilespmem:s28+$0x4880]  }
0xf3: {  	v20 =	vld [tilespmem:s28+$0xC880]  }
0xf4: {  	v34 =	vld [tilespmem:s28+$0xC900];
	v1 =	vmul.f32 v2, v1  }
0xf5: {  	v35 =	vld [tilespmem:s28+$0x4980];
	v3 =	vmul.f32 v4, v3  }
0xf6: {  	v36 =	vld [tilespmem:s28+$0xC980];
	(xrf2) =	vadd.scan.msk.f32 $0xffff, v1;
	v1 =	vmul.f32 v6, v5  }
0xf7: {  	v37 =	vld [tilespmem:s28+$0x4A00];
	(xrf2) =	vadd.scan.msk.f32 $0xffff, v3;
	v3 =	vmul.f32 v8, v7  }
0xf8: {  	v38 =	vld [tilespmem:s28+$0xCA00];
	(xrf2) =	vadd.scan.msk.f32 $0xffff, v1;
	v1 =	vmul.f32 v10, v9  }
0xf9: {  	v2 =	vld [tilespmem:s28+$0x4900];
	(xrf2) =	vadd.scan.msk.f32 $0xffff, v3;
	v3 =	vmul.f32 v12, v11  }
0xfa: {  	v39 =	vld [tilespmem:s28+$0x4A80];
	(xrf2) =	vadd.scan.msk.f32 $0xffff, v1;
	v1 =	vmul.f32 v14, v13  }
0xfb: {  	v40 =	vld [tilespmem:s28+$0xCA80];
	(xrf2) =	vadd.scan.msk.f32 $0xffff, v3;
	v3 =	vmul.f32 v16, v15  }
0xfc: {  	v41 =	vld [tilespmem:s28+$0x4B00];
	(xrf2) =	vadd.scan.msk.f32 $0xffff, v1;
	v1 =	vmul.f32 v18, v17  }
0xfd: {  	v42 =	vld [tilespmem:s28+$0xCB00];
	(xrf2) =	vadd.scan.msk.f32 $0xffff, v3;
	v3 =	vmul.f32 v20, v19  }
0xfe: {  	v44 =	vld [tilespmem:s28+$0xCB80];
	(xrf2) =	vadd.scan.msk.f32 $0xffff, v1;
	v1 =	vmul.f32 v34, v2  }
0xff: {  	v2 =	vmul.f32 v36, v35;
	(xrf2) =	vadd.scan.msk.f32 $0xffff, v3;
	v3 =	vld [tilespmem:s28+$0x4B80]  }
0x100: {  	v43, _, _ =	vpop (xrf2);
	(xrf2) =	vadd.scan.msk.f32 $0xffff, v1;
	v1 =	vmul.f32 v38, v37  }
0x101: {  	v46 =	vmul.f32 v40, v39;
	v45, _, _ =	vpop (xrf2);
	(xrf2) =	vadd.scan.msk.f32 $0xffff, v2  }
0x102: {  	v2 =	vbroadcast v43, $0xF;
	v47, _, _ =	vpop (xrf2);
	(xrf2) =	vadd.scan.msk.f32 $0xffff, v1;
	v1 =	vbroadcast v45, $0xF  }
0x103: {  	v48 =	vmul.f32 v42, v41;
	v49, _, _ =	vpop (xrf2);
	(xrf2) =	vadd.scan.msk.f32 $0xffff, v46;
	v50 =	vbroadcast v47, $0xF  }
0x104: {  	v1 =	vsel vm0, v2, v1;
	v2 =	vbroadcast v49, $0xF;
	v51, _, _ =	vpop (xrf2);
	v3 =	vmul.f32 v44, v3  }
0x105: {  	(xrf2) =	vadd.scan.msk.f32 $0xffff, v48;
	v52, _, _ =	vpop (xrf2);
	v1 =	vsel vm1, v1, v50;
	v53 =	vbroadcast v51, $0xF  }
0x106: {  	v54, _, _ =	vpop (xrf2);
	v1 =	vsel vm2, v1, v2;
	v2 =	vbroadcast v52, $0xF  }
0x107: {  	v1 =	vsel vm3, v1, v53;
	v55 =	vbroadcast v54, $0xF;
	v56, _, _ =	vpop (xrf2)  }
0x108: {  	(xrf2) =	vadd.scan.msk.f32 $0xffff, v3;
	v3, _, _ =	vpop (xrf2);
	v1 =	vsel vm4, v1, v2;
	v2 =	vbroadcast v56, $0xF  }
0x109: {  	v57, _, _ =	vpop (xrf2);
	v1 =	vsel vm5, v1, v55;
	v3 =	vbroadcast v3, $0xF  }
0x10a: {  	v58, _, _ =	vpop (xrf2);
	v1 =	vsel vm6, v1, v2;
	v2 =	vbroadcast v57, $0xF  }
0x10b: {  	v59, _, _ =	vpop (xrf2);
	v1 =	vsel vm7, v1, v3;
	v3 =	vbroadcast v58, $0xF  }
0x10c: {  	v60, _, _ =	vpop (xrf2);
	v1 =	vsel vm8, v1, v2;
	v2 =	vbroadcast v59, $0xF  }
0x10d: {  	v61, _, _ =	vpop (xrf2);
	v1 =	vsel vm9, v1, v3  }
0x10e: {  	v3 =	vbroadcast v60, $0xF;
	v1 =	vsel vm10, v1, v2;
	v2 =	vbroadcast v61, $0xF  }
0x10f: {  	v63 =	vor.u32 s26, v0;
	p0 =	sne.s32 s25, $0xE000;
	v62, _, _ =	vpop (xrf2)  }
.Ltmp3:
0x110: {  	v1 =	vsel vm11, v1, v3;
	v3 =	vbroadcast v62, $0xF;
	(pc) =	sbr.rel @p0 .LBB2_8-.Ltmp3, $4  }
0x111: {  	v1 =	vsel vm12, v1, v2  }
0x112: {  	v1 =	vsel vm13, v1, v3;
	v2, _, _ =	vpop (xrf2)  }
0x113: {  	v1 =	vsel vm14, v1, v2  }
0x114: {  	s26 =	sadd.s32 $0x10, s26;
	s25 =	sadd.s32 $0x2000, s25;
	[tilespmem:v63+s19+$0x0] =	vst.idx.msk $0xffff, v1  }
0x115: {  	s24 =	sadd.s32 $0x1, s24  }
0x116: {  	p0 =	sne.s32 s24, s8  }
.Ltmp4:
0x117: {  	_ = 	snop;
	(pc) =	sbr.rel @p0 .LBB2_1-.Ltmp4, $4  }
0x118: {  	[hbm4b:s7+s1] =	stream.linear.scatter [tilespmem:s19], [sflag:$0x3], $0x200, $0x38;
	[tilespmem:$0x10600] =	vst v63  }
0x119: {  	_ =	swait.ge [sflag:s9], $0x200  }
0x11a: {  	[sflag:s9] =	ssyncset.done $0x0  }
0x11b: {  	[sflag:s9] =	ssyncadd.s32 $0xFFFFFE00  }
0x11c: {  	_ =	sfence.sel $0x180000  }
0x11d: {  	[bflag:$0x0] =	sbarrier.arrive $0xFFFF  }
0x11e: {  	p0 =	sne.s32 s2, $0x0;
	_ =	strace $0x90000047  }
0x11f: {  	s0 =	sadd.s32 @!p0 $0x100000, s0;
	[bflag:$0x2] =	sbarrier.arrive $0xFFFF  }
0x120: {  	[sflag:s0] =	ssyncadd.tile.s32 @!p0 $0x1;
	_ =	shalt  }
.Lfunc_end2:
_tile_overlayer_lowered:
.L_overlay_start_2:
0x121: {  	(tag) =	ssettag $0x2  }
0x122: {  	s0 =	rddreg [dreg:$0x0];
	s2 =	stileid.u32  }
0x123: {  	s1 =	rddreg [dreg:$0x1];
	p0 =	sne.s32 s2, $0x0  }
0x124: {  	s3 =	rddreg [dreg:$0x2];
	[bflag:$0x3] =	sbarrier.arrive $0xFFFF;
	s2 =	simm.s32 @!p0 $0x1C03  }
0x125: {  	[timem:s3], [sflag:s2] =	dma.local @!p0 [hbm:s0], s1  }
0x126: {  	s0 =	simm.s32 @!p0 $0x3  }
0x127: {  	_ =	swait.ge @!p0 [sflag:s0], s1  }
0x128: {  	s1 =	ssub.s32 @!p0 $0x0, s1;
	[sflag:s0] =	ssyncset.done @!p0 $0x0  }
0x129: {  	[sflag:s0] =	ssyncadd.s32 @!p0 s1  }
0x12a: {  	[bflag:$0x3] =	sbarrier.arrive $0xFFFF  }
0x12b: {  	_ =	shalt  }

</sc_bundles>
